<compile_context>
chip_gen: v7x
topology: tpu7x:2x2x1
jax: 0.10.2.dev20260603
libtpu: 0.0.44.dev20260713+nightly
codegen_flags: <defaults>
</compile_context>

<pallas_src>
import functools

import jax
import jax.numpy as jnp
import numpy as np
from jax import lax
from jax.experimental import pallas as pl
from jax.experimental.pallas import tpu as pltpu
from jax.experimental.pallas import tpu_sc as plsc

N = 10000
E = 160000
C = 16
D = 16
NEF = 16
HID = 16
ALPHA = 1.0 / np.sqrt(C * 1)

NC = 2
NS = 16
NW = NC * NS
EPW = E // NW
CHUNK = 125
NCH = EPW // CHUNK
ROWS_PER_TILE = N // NS

Q = E // 8


def _gather_rows_body(table_hbm, idx_hbm, out_hbm, idx_v, rows_v, sem):
    cid = lax.axis_index("c")
    sid = lax.axis_index("s")
    wid = sid * NC + cid
    lane_j = wid // 4
    row_0 = (wid % 4) * EPW
    pltpu.sync_copy(idx_hbm.at[pl.ds(wid * NCH, NCH)], idx_v)

    def fire(j, carry):
        pltpu.async_copy(
            table_hbm.at[idx_v.at[j]],
            rows_v.at[pl.ds(j * CHUNK, CHUNK)],
            sem,
        )
        return carry

    lax.fori_loop(0, NCH, fire, 0)

    def drain(j, carry):
        pltpu.make_async_copy(
            table_hbm.at[idx_v.at[j]],
            rows_v.at[pl.ds(j * CHUNK, CHUNK)],
            sem,
        ).wait()
        return carry

    lax.fori_loop(0, NCH, drain, 0)
    pltpu.sync_copy(rows_v,
                    out_hbm.at[pl.ds(row_0, EPW), pl.ds(16 * lane_j, 16)])


def _scatter_mean_parts_body(tp_hbm, idx2d_hbm, idxflat_hbm, psum_hbm,
                             pcnt_hbm, idx_v, idxf_v, tp_v, cnt_v, zb_v,
                             acc_sh, sem):
    cid = lax.axis_index("c")
    sid = lax.axis_index("s")
    wid = sid * NC + cid
    lane_j = wid // 4
    row_0 = (wid % 4) * EPW
    z16 = jnp.zeros((16,), jnp.float32)
    ones16 = jnp.ones((16,), jnp.float32)

    pltpu.async_copy(idx2d_hbm.at[pl.ds(wid * NCH, NCH)], idx_v, sem)
    pltpu.async_copy(idxflat_hbm.at[pl.ds(wid * EPW, EPW)], idxf_v, sem)
    pltpu.async_copy(tp_hbm.at[pl.ds(row_0, EPW), pl.ds(16 * lane_j, 16)],
                     tp_v, sem)

    def zero_body(i, carry):
        zb_v[i, :] = z16
        cnt_v[pl.ds(i * 16, 16)] = z16
        return carry

    lax.fori_loop(0, ROWS_PER_TILE, zero_body, 0)
    pltpu.sync_copy(zb_v, acc_sh.at[pl.ds(sid * ROWS_PER_TILE, ROWS_PER_TILE)])
    plsc.subcore_barrier()

    pltpu.make_async_copy(idx2d_hbm.at[pl.ds(wid * NCH, NCH)], idx_v,
                          sem).wait()
    pltpu.make_async_copy(idxflat_hbm.at[pl.ds(wid * EPW, EPW)], idxf_v,
                          sem).wait()
    pltpu.make_async_copy(
        tp_hbm.at[pl.ds(row_0, EPW), pl.ds(16 * lane_j, 16)], tp_v,
        sem).wait()

    def scat_fire(j, carry):
        pltpu.async_copy(tp_v.at[pl.ds(j * CHUNK, CHUNK)],
                         acc_sh.at[idx_v.at[j]], sem, add=True)
        return carry

    lax.fori_loop(0, NCH, scat_fire, 0)

    def hist_body(i, carry):
        idxs = idxf_v[pl.ds(i * 16, 16)]
        plsc.addupdate_scatter(cnt_v, [idxs], ones16)
        return carry

    lax.fori_loop(0, EPW // 16, hist_body, 0)
    n_tail = EPW - (EPW // 16) * 16
    if n_tail:
        idxs = idxf_v[pl.ds(EPW - 16, 16)]
        tail_mask = lax.iota(jnp.int32, 16) >= (16 - n_tail)
        plsc.addupdate_scatter(cnt_v, [idxs], ones16, mask=tail_mask)

    def scat_drain(j, carry):
        pltpu.make_async_copy(tp_v.at[pl.ds(j * CHUNK, CHUNK)],
                              acc_sh.at[idx_v.at[j]], sem).wait()
        return carry

    lax.fori_loop(0, NCH, scat_drain, 0)
    plsc.subcore_barrier()

    pltpu.sync_copy(acc_sh.at[pl.ds(sid * ROWS_PER_TILE, ROWS_PER_TILE)],
                    psum_hbm.at[cid].at[pl.ds(sid * ROWS_PER_TILE, ROWS_PER_TILE)])
    pltpu.sync_copy(cnt_v, pcnt_hbm.at[wid])


BLK = 1000
NBLK = Q // BLK
KC = HID * C


def _edge_body(x_ref, *refs):
    ea_refs = refs[0:8]
    sht_ref = refs[8]
    w1_ref, b1_ref, m3_ref, w2r_ref, rs8_ref, eye_ref, tp_ref = refs[9:]
    w1 = w1_ref[...]
    b1 = b1_ref[...]
    w2r = w2r_ref[...]
    xf = x_ref[...]
    m3 = m3_ref[...]
    eye = eye_ref[...]
    dn0 = (((0,), (1,)), ((), ()))
    dnt = (((0,), (0,)), ((), ()))
    ea_all = jnp.concatenate([r[...] for r in ea_refs], axis=0)
    ht_all = jnp.maximum(
        lax.dot_general(w1, ea_all, dn0,
                        preferred_element_type=jnp.float32) + b1, 0.0)
    xt_all = jnp.concatenate(
        [lax.dot_general(eye, xf[:, 16 * j:16 * (j + 1)], dn0,
                         preferred_element_type=jnp.float32)
         for j in range(8)], axis=1)
    gt = jnp.concatenate([ht_all, xt_all], axis=0)
    yt = lax.dot_general(m3, gt, dnt,
                         preferred_element_type=jnp.float32)
    zt = yt[:KC] * yt[KC:2 * KC]
    tpt = lax.dot_general(w2r, zt, dnt,
                          preferred_element_type=jnp.float32)
    tpt = tpt + yt[2 * KC:]
    tp_all = jnp.transpose(jnp.concatenate(
        [tpt[:, j * BLK:(j + 1) * BLK] for j in range(8)], axis=0))
    sh8t = sht_ref[0]
    sh_all = jnp.dot(sh8t.T, rs8_ref[...],
                     preferred_element_type=jnp.float32)
    tp_ref[...] = tp_all * (sh_all * ALPHA)


_edge_tc = pl.pallas_call(
    _edge_body,
    out_shape=jax.ShapeDtypeStruct((Q, 128), jnp.float32),
    grid=(NBLK,),
    in_specs=(
        [pl.BlockSpec((BLK, 128), lambda i: (i, 0))]
        + [pl.BlockSpec((BLK, NEF), lambda i, j=j: (j * NBLK + i, 0))
           for j in range(8)]
        + [pl.BlockSpec((1, 8, BLK), lambda i: (i, 0, 0))]
        + [
            pl.BlockSpec((NEF, HID), lambda i: (0, 0)),
            pl.BlockSpec((HID, 1), lambda i: (0, 0)),
            pl.BlockSpec((2 * HID, 2 * KC + D), lambda i: (0, 0)),
            pl.BlockSpec((KC, D), lambda i: (0, 0)),
            pl.BlockSpec((8, 128), lambda i: (0, 0)),
            pl.BlockSpec((C, C), lambda i: (0, 0)),
        ]
    ),
    out_specs=pl.BlockSpec((BLK, 128), lambda i: (i, 0)),
    compiler_params=pltpu.CompilerParams(
        dimension_semantics=("parallel",)),
)

_RS8 = np.kron(np.eye(8, dtype=np.float32), np.ones((1, 16), np.float32))

_RH = np.kron(np.eye(HID, dtype=np.float32), np.ones((1, C), np.float32))
_RX = np.tile(np.eye(C, dtype=np.float32), (1, HID))


def _fin_body(psum_ref, pcnt_ref, na_ref, bnw_ref, bnb_ref, out_ref):
    s = psum_ref[0] + psum_ref[1]
    cnt = jnp.sum(pcnt_ref[...], axis=0)
    o = s / jnp.maximum(cnt, 1.0)[:, None] + na_ref[...]
    m = jnp.mean(o, axis=0, keepdims=True)
    v = jnp.mean((o - m) ** 2, axis=0, keepdims=True)
    out_ref[...] = (o - m) * lax.rsqrt(v + 1e-5) * bnw_ref[...] + bnb_ref[...]


_finalize_tc = pl.pallas_call(
    _fin_body,
    out_shape=jax.ShapeDtypeStruct((N, D), jnp.float32),
)


@functools.lru_cache(maxsize=1)
def _build_sc_kernels():
    mesh = plsc.VectorSubcoreMesh(core_axis_name="c", subcore_axis_name="s")
    sc_params = pltpu.CompilerParams(use_tc_tiling_on_sc=False,
                                     needs_layout_passes=False)
    gather = pl.kernel(
        _gather_rows_body,
        out_type=jax.ShapeDtypeStruct((Q, 128), jnp.float32),
        mesh=mesh,
        compiler_params=sc_params,
        scratch_types=[
            pltpu.VMEM((NCH, CHUNK), jnp.int32),
            pltpu.VMEM((EPW, C), jnp.float32),
            pltpu.SemaphoreType.DMA,
        ],
    )
    scatter = pl.kernel(
        _scatter_mean_parts_body,
        out_type=(
            jax.ShapeDtypeStruct((NC, N, D), jnp.float32),
            jax.ShapeDtypeStruct((NW, N), jnp.float32),
        ),
        mesh=mesh,
        compiler_params=sc_params,
        scratch_types=[
            pltpu.VMEM((NCH, CHUNK), jnp.int32),
            pltpu.VMEM((EPW,), jnp.int32),
            pltpu.VMEM((EPW, D), jnp.float32),
            pltpu.VMEM((N,), jnp.float32),
            pltpu.VMEM((ROWS_PER_TILE, D), jnp.float32),
            pltpu.VMEM_SHARED((N, D), jnp.float32),
            pltpu.SemaphoreType.DMA,
        ],
    )
    return gather, scatter


def kernel(node_attr, edge_index, edge_attr, edge_sh, global_graph_embedding,
           ptr, W1, b1, W2, b2, bn_w, bn_b):
    _gather_rows, _scatter_mean_parts = _build_sc_kernels()
    edge_src = edge_index[0]
    edge_dst = edge_index[1]
    dst2d = edge_dst.reshape(NW * NCH, CHUNK)
    src2d = edge_src.reshape(NW * NCH, CHUNK)

    x = _gather_rows(node_attr, dst2d)

    w2r = W2.reshape(HID, C, D).reshape(HID * C, D)
    bm = b2.reshape(C, D)
    m3 = jnp.concatenate([
        jnp.concatenate([_RH, jnp.zeros((HID, KC + D), jnp.float32)], axis=1),
        jnp.concatenate([jnp.zeros((C, KC), jnp.float32), _RX, bm], axis=1),
    ], axis=0)
    sht = jnp.transpose(edge_sh.reshape(8, NBLK, BLK), (1, 0, 2))
    tp128 = _edge_tc(x, *([edge_attr] * 8), sht, W1,
                     b1.reshape(HID, 1), m3, w2r,
                     jnp.asarray(_RS8), jnp.eye(C, dtype=jnp.float32))

    psum, pcnt = _scatter_mean_parts(tp128, src2d, edge_src)

    return _finalize_tc(psum, pcnt, node_attr, bn_w.reshape(1, D),
                        bn_b.reshape(1, D))

# --- scband reference (transcript-rebuilt; emitter-appended) ---
"""Pipeline reference for scband-tensor-product-lig-conv-layer-23854248362256 (READ-ONLY COPY).

The authoritative reference and input builder live on the scoring server;
editing this copy changes nothing except your own understanding.
"""

import jax, jax.numpy as jnp
import numpy as np

N = 10000
E = 160000
C = 16   # in_irreps 16x0e
D = 16   # out_irreps 16x0e
SH = 1   # sh_irreps 1x0e
NEF = 16
HID = 16
G = 8

def setup_inputs(seed: int = 0) -> dict:
    key = jax.random.key(seed)
    ks = jax.random.split(key, 12)
    node_attr = jax.random.normal(ks[0], (N, C), dtype=jnp.float32)
    edge_index = jax.random.randint(ks[1], (2, E), 0, N)
    edge_attr = jax.random.normal(ks[2], (E, NEF), dtype=jnp.float32)
    edge_sh = jax.random.normal(ks[3], (E, SH), dtype=jnp.float32)
    global_graph_embedding = jax.random.normal(ks[4], (G, 1024), dtype=jnp.float32)
    ptr = jnp.arange(G + 1, dtype=jnp.int32) * (N // G)
    # fc: Linear(NEF,HID) -> ReLU -> Linear(HID, weight_numel=C*1*D)
    W1 = jax.random.normal(ks[5], (NEF, HID), dtype=jnp.float32) * (1.0 / np.sqrt(NEF))
    b1 = jnp.zeros((HID,), jnp.float32)
    W2 = jax.random.normal(ks[6], (HID, C * D), dtype=jnp.float32) * (1.0 / np.sqrt(HID))
    b2 = jnp.zeros((C * D,), jnp.float32)
    # e3nn BatchNorm affine params for 16x0e (all scalars)
    bn_w = jnp.ones((D,), jnp.float32)
    bn_b = jnp.zeros((D,), jnp.float32)
    return {"node_attr": node_attr, "edge_index": edge_index, "edge_attr": edge_attr,
            "edge_sh": edge_sh, "global_graph_embedding": global_graph_embedding, "ptr": ptr,
            "W1": W1, "b1": b1, "W2": W2, "b2": b2, "bn_w": bn_w, "bn_b": bn_b}

def reference(node_attr, edge_index, edge_attr, edge_sh, global_graph_embedding, ptr,
              W1, b1, W2, b2, bn_w, bn_b):
    edge_src = edge_index[0]
    edge_dst = edge_index[1]
    # fc(edge_attr) -> per-edge TP weights [E, C*D]
    h = jnp.maximum(edge_attr @ W1 + b1, 0.0)
    w = (h @ W2 + b2).reshape(E, C, D)
    # FullyConnectedTensorProduct for 16x0e x 1x0e -> 16x0e:
    # single 'uvw' path with CG=1; path normalization 'element': alpha = mul1*mul2 = C
    alpha = 1.0 / np.sqrt(C * 1)
    x = node_attr[edge_dst]                     # gather [E, C]
    tp = jnp.einsum('ec,ecd->ed', x, w) * edge_sh * alpha  # [E, D]
    # scatter mean over edge_src (dim_size = N)
    out = jax.ops.segment_sum(tp, edge_src, num_segments=N)
    cnt = jax.ops.segment_sum(jnp.ones((E,), jnp.float32), edge_src, num_segments=N)
    out = out / jnp.maximum(cnt, 1.0)[:, None]
    # add_in=False -> global projection branch skipped
    # residual: F.pad(node_attr, (0, D-C)) ; here D==C so no pad
    out = out + node_attr
    # e3nn BatchNorm over pure scalar irreps == standard BN (training stats, biased var)
    mean = out.mean(axis=0)
    var = ((out - mean) ** 2).mean(axis=0)
    out = (out - mean) / jnp.sqrt(var + 1e-5) * bn_w + bn_b
    return out

if __name__ == "__main__":
    import jax
    _d = setup_inputs()
    print(jax.jit(kernel)(*tuple(_d.values())))

</pallas_src>

<mosaic_0001>
#map = affine_map<(d0, d1) -> (0, 0)>
#map1 = affine_map<(d0, d1) -> (0)>
#map2 = affine_map<(d0, d1) -> (0, 0, 0)>
module attributes {stable_mosaic.version = 14 : i64} {
  func.func @_scatter_mean_parts_body(%arg0: i32, %arg1: i32, %arg2: memref<20000x128xf32, #tpu.memory_space<hbm>>, %arg3: memref<1280x125xi32, #tpu.memory_space<hbm>>, %arg4: memref<160000xi32, #tpu.memory_space<hbm>>, %arg5: memref<2x10000x16xf32, #tpu.memory_space<hbm>>, %arg6: memref<32x10000xf32, #tpu.memory_space<hbm>>, %arg7: memref<40x125xi32, #tpu.memory_space<vmem>>, %arg8: memref<5000xi32, #tpu.memory_space<vmem>>, %arg9: memref<5000x16xf32, #tpu.memory_space<vmem>>, %arg10: memref<10000xf32, #tpu.memory_space<vmem>>, %arg11: memref<625x16xf32, #tpu.memory_space<vmem>>, %arg12: memref<10000x16xf32, #tpu.memory_space<vmem_shared>>, %arg13: memref<!tpu.dma_semaphore, #tpu.memory_space<semaphore_mem>>) attributes {dimension_semantics = [#tpu.dimension_semantics<core_parallel>, #tpu.dimension_semantics<subcore_parallel>], iteration_bounds = array<i64: 2, 16>, scalar_prefetch = 0 : i64, scratch_operands = 7 : i64, tpu.core_type = #tpu.core_type<sc_vector_subcore>, window_params = [{transform_indices = #map}, {transform_indices = #map}, {transform_indices = #map1}, {transform_indices = #map2}, {transform_indices = #map}]} {
    %mul3A = arith.constant 2 : i32
    %mul3A_0 = arith.muli %arg1, %mul3A : i32
    %add3A = arith.addi %mul3A_0, %arg0 : i32
    %jit3A = arith.constant 4 : i32
    %div3A = arith.divsi %add3A, %jit3A : i32
    %sign3A = arith.constant 0 : i32
    %sign3A_1 = arith.cmpi sgt, %add3A, %sign3A : i32
    %sign3A_2 = arith.extui %sign3A_1 : i1 to i32
    %sign3A_3 = arith.constant 0 : i32
    %sign3A_4 = arith.cmpi slt, %add3A, %sign3A_3 : i32
    %sign3A_5 = arith.extui %sign3A_4 : i1 to i32
    %sign3A_6 = arith.subi %sign3A_2, %sign3A_5 : i32
    %sign3A_7 = arith.constant 0 : i32
    %sign3A_8 = arith.cmpi sgt, %jit3A, %sign3A_7 : i32
    %sign3A_9 = arith.extui %sign3A_8 : i1 to i32
    %sign3A_10 = arith.constant 0 : i32
    %sign3A_11 = arith.cmpi slt, %jit3A, %sign3A_10 : i32
    %sign3A_12 = arith.extui %sign3A_11 : i1 to i32
    %sign3A_13 = arith.subi %sign3A_9, %sign3A_12 : i32
    %ne3A = arith.cmpi ne, %sign3A_6, %sign3A_13 : i32
    %rem3A = arith.remsi %add3A, %jit3A : i32
    %ne3A_14 = arith.constant 0 : i32
    %ne3A_15 = arith.cmpi ne, %rem3A, %ne3A_14 : i32
    %and3A = arith.andi %ne3A, %ne3A_15 : i1
    %sub3A = arith.constant 1 : i32
    %sub3A_16 = arith.subi %div3A, %sub3A : i32
    %select_n3A = arith.select %and3A, %sub3A_16, %div3A : i32
    %jit3A_17 = arith.constant 4 : i32
    %eq3A = arith.constant 0 : i32
    %eq3A_18 = arith.cmpi eq, %jit3A_17, %eq3A : i32
    %jit3A_19 = arith.constant 1 : i32
    %select_n3A_20 = arith.select %eq3A_18, %jit3A_19, %jit3A_17 : i32
    %rem3A_21 = arith.remsi %add3A, %select_n3A_20 : i32
    %ne3A_22 = arith.constant 0 : i32
    %ne3A_23 = arith.cmpi ne, %rem3A_21, %ne3A_22 : i32
    %lt3A = arith.constant 0 : i32
    %lt3A_24 = arith.cmpi slt, %rem3A_21, %lt3A : i32
    %lt3A_25 = arith.constant 0 : i32
    %lt3A_26 = arith.cmpi slt, %select_n3A_20, %lt3A_25 : i32
    %ne3A_27 = arith.xori %lt3A_24, %lt3A_26 : i1
    %and3A_28 = arith.andi %ne3A_27, %ne3A_23 : i1
    %add3A_29 = arith.addi %rem3A_21, %select_n3A_20 : i32
    %select_n3A_30 = arith.select %and3A_28, %add3A_29, %rem3A_21 : i32
    %mul3A_31 = arith.constant 5000 : i32
    %mul3A_32 = arith.muli %select_n3A_30, %mul3A_31 : i32
    %broadcast_in_dim3A = arith.constant 0.000000e+00 : f32
    %broadcast_in_dim3A_33 = vector.broadcast %broadcast_in_dim3A : f32 to vector<16xf32>
    %broadcast_in_dim3A_34 = arith.constant 1.000000e+00 : f32
    %broadcast_in_dim3A_35 = vector.broadcast %broadcast_in_dim3A_34 : f32 to vector<16xf32>
    %mul3A_36 = arith.constant 40 : i32
    %mul3A_37 = arith.muli %add3A, %mul3A_36 : i32
    %dma_start3A = arith.constant 0 : i32
    %dma_start3A_38 = tpu.memref_slice %arg3[%mul3A_37, %dma_start3A] : memref<1280x125xi32, #tpu.memory_space<hbm>> -> memref<40x125xi32, #tpu.memory_space<hbm>>
    %dma_start3A_39 = arith.constant 0 : i32
    %dma_start3A_40 = tpu.memref_slice %arg3[%mul3A_37, %dma_start3A_39] : memref<1280x125xi32, #tpu.memory_space<hbm>> -> memref<40x125xi32, #tpu.memory_space<hbm>>
    tpu.enqueue_dma source(%dma_start3A_40 : memref<40x125xi32, #tpu.memory_space<hbm>>) target(%arg7 : memref<40x125xi32, #tpu.memory_space<vmem>>) target_semaphore(%arg13 : memref<!tpu.dma_semaphore, #tpu.memory_space<semaphore_mem>>)
    %mul3A_41 = arith.constant 5000 : i32
    %mul3A_42 = arith.muli %add3A, %mul3A_41 : i32
    %dma_start3A_43 = tpu.memref_slice %arg4[%mul3A_42] : memref<160000xi32, #tpu.memory_space<hbm>> -> memref<5000xi32, #tpu.memory_space<hbm>>
    %dma_start3A_44 = tpu.memref_slice %arg4[%mul3A_42] : memref<160000xi32, #tpu.memory_space<hbm>> -> memref<5000xi32, #tpu.memory_space<hbm>>
    tpu.enqueue_dma source(%dma_start3A_44 : memref<5000xi32, #tpu.memory_space<hbm>>) target(%arg8 : memref<5000xi32, #tpu.memory_space<vmem>>) target_semaphore(%arg13 : memref<!tpu.dma_semaphore, #tpu.memory_space<semaphore_mem>>)
    %mul3A_45 = arith.constant 16 : i32
    %mul3A_46 = arith.muli %mul3A_45, %select_n3A : i32
    %dma_start3A_47 = tpu.memref_slice %arg2[%mul3A_32, %mul3A_46] : memref<20000x128xf32, #tpu.memory_space<hbm>> -> memref<5000x16xf32, #tpu.memory_space<hbm>>
    %dma_start3A_48 = tpu.memref_slice %arg2[%mul3A_32, %mul3A_46] : memref<20000x128xf32, #tpu.memory_space<hbm>> -> memref<5000x16xf32, #tpu.memory_space<hbm>>
    tpu.enqueue_dma source(%dma_start3A_48 : memref<5000x16xf32, #tpu.memory_space<hbm>>) target(%arg9 : memref<5000x16xf32, #tpu.memory_space<vmem>>) target_semaphore(%arg13 : memref<!tpu.dma_semaphore, #tpu.memory_space<semaphore_mem>>)
    %scan3A = arith.constant 0 : i32
    %scan3A_49 = arith.constant 0 : i32
    %scan3A_50 = arith.constant 625 : i32
    %scan3A_51 = arith.addi %scan3A_49, %scan3A_50 : i32
    %scan3A_52 = arith.constant 1 : i32
    scf.for %scan3A_95 = %scan3A_49 to %scan3A_51 step %scan3A_52  : i32 {
      %swap3A = arith.index_cast %scan3A_95 : i32 to index
      %swap3A_96 = arith.constant 0 : index
      %swap3A_97 = tpu.vector_load %arg11[%swap3A, %swap3A_96] {strides = array<i32>} : memref<625x16xf32, #tpu.memory_space<vmem>>, vector<16xf32>,
      tpu.vector_store %arg11[%swap3A, %swap3A_96], %broadcast_in_dim3A_33 {strides = array<i32>} : memref<625x16xf32, #tpu.memory_space<vmem>>, vector<16xf32>,
      %mul3A_98 = arith.constant 16 : i32
      %mul3A_99 = arith.muli %scan3A_95, %mul3A_98 : i32
      %swap3A_100 = arith.index_cast %mul3A_99 : i32 to index
      %swap3A_101 = tpu.vector_load %arg10[%swap3A_100] {strides = array<i32>} : memref<10000xf32, #tpu.memory_space<vmem>>, vector<16xf32>,
      tpu.vector_store %arg10[%swap3A_100], %broadcast_in_dim3A_33 {strides = array<i32>} : memref<10000xf32, #tpu.memory_space<vmem>>, vector<16xf32>,
    }
    %scan3A_53 = arith.constant 625 : i32
    %mul3A_54 = arith.constant 625 : i32
    %mul3A_55 = arith.muli %arg1, %mul3A_54 : i32
    "tpu.region"() ({
      %run_scoped3A = tpu.sem_alloc : memref<!tpu.dma_semaphore, #tpu.memory_space<semaphore_mem>>
      %dma_start3A_95 = arith.constant 0 : i32
      %dma_start3A_96 = tpu.memref_slice %arg12[%mul3A_55, %dma_start3A_95] : memref<10000x16xf32, #tpu.memory_space<vmem_shared>> -> memref<625x16xf32, #tpu.memory_space<vmem_shared>>
      %dma_start3A_97 = arith.constant 0 : i32
      %dma_start3A_98 = tpu.memref_slice %arg12[%mul3A_55, %dma_start3A_97] : memref<10000x16xf32, #tpu.memory_space<vmem_shared>> -> memref<625x16xf32, #tpu.memory_space<vmem_shared>>
      tpu.enqueue_dma source(%arg11 : memref<625x16xf32, #tpu.memory_space<vmem>>) target(%dma_start3A_98 : memref<625x16xf32, #tpu.memory_space<vmem_shared>>) target_semaphore(%run_scoped3A : memref<!tpu.dma_semaphore, #tpu.memory_space<semaphore_mem>>)
      %dma_wait3A_99 = arith.constant 0 : i32
      %dma_wait3A_100 = tpu.memref_slice %arg12[%mul3A_55, %dma_wait3A_99] : memref<10000x16xf32, #tpu.memory_space<vmem_shared>> -> memref<625x16xf32, #tpu.memory_space<vmem_shared>>
      %dma_wait3A_101 = arith.constant 0 : i32
      %dma_wait3A_102 = tpu.memref_slice %arg12[%mul3A_55, %dma_wait3A_101] : memref<10000x16xf32, #tpu.memory_space<vmem_shared>> -> memref<625x16xf32, #tpu.memory_space<vmem_shared>>
      tpu.wait_dma2 semaphore(%run_scoped3A : memref<!tpu.dma_semaphore, #tpu.memory_space<semaphore_mem>>) src(%arg11 : memref<625x16xf32, #tpu.memory_space<vmem>>) dst(%dma_wait3A_102 : memref<625x16xf32, #tpu.memory_space<vmem_shared>>)
      tpu.yield
    }) : () -> ()
    %barrier3A = arith.constant 0 : index
    tpu.barrier barrier_id(%barrier3A)
    %mul3A_56 = arith.constant 40 : i32
    %mul3A_57 = arith.muli %add3A, %mul3A_56 : i32
    %dma_wait3A = arith.constant 0 : i32
    %dma_wait3A_58 = tpu.memref_slice %arg3[%mul3A_57, %dma_wait3A] : memref<1280x125xi32, #tpu.memory_space<hbm>> -> memref<40x125xi32, #tpu.memory_space<hbm>>
    %dma_wait3A_59 = arith.constant 0 : i32
    %dma_wait3A_60 = tpu.memref_slice %arg3[%mul3A_57, %dma_wait3A_59] : memref<1280x125xi32, #tpu.memory_space<hbm>> -> memref<40x125xi32, #tpu.memory_space<hbm>>
    tpu.wait_dma2 semaphore(%arg13 : memref<!tpu.dma_semaphore, #tpu.memory_space<semaphore_mem>>) src(%dma_wait3A_60 : memref<40x125xi32, #tpu.memory_space<hbm>>) dst(%arg7 : memref<40x125xi32, #tpu.memory_space<vmem>>)
    %mul3A_61 = arith.constant 5000 : i32
    %mul3A_62 = arith.muli %add3A, %mul3A_61 : i32
    %dma_wait3A_63 = tpu.memref_slice %arg4[%mul3A_62] : memref<160000xi32, #tpu.memory_space<hbm>> -> memref<5000xi32, #tpu.memory_space<hbm>>
    %dma_wait3A_64 = tpu.memref_slice %arg4[%mul3A_62] : memref<160000xi32, #tpu.memory_space<hbm>> -> memref<5000xi32, #tpu.memory_space<hbm>>
    tpu.wait_dma2 semaphore(%arg13 : memref<!tpu.dma_semaphore, #tpu.memory_space<semaphore_mem>>) src(%dma_wait3A_64 : memref<5000xi32, #tpu.memory_space<hbm>>) dst(%arg8 : memref<5000xi32, #tpu.memory_space<vmem>>)
    %mul3A_65 = arith.constant 16 : i32
    %mul3A_66 = arith.muli %mul3A_65, %select_n3A : i32
    %dma_wait3A_67 = tpu.memref_slice %arg2[%mul3A_32, %mul3A_66] : memref<20000x128xf32, #tpu.memory_space<hbm>> -> memref<5000x16xf32, #tpu.memory_space<hbm>>
    %dma_wait3A_68 = tpu.memref_slice %arg2[%mul3A_32, %mul3A_66] : memref<20000x128xf32, #tpu.memory_space<hbm>> -> memref<5000x16xf32, #tpu.memory_space<hbm>>
    tpu.wait_dma2 semaphore(%arg13 : memref<!tpu.dma_semaphore, #tpu.memory_space<semaphore_mem>>) src(%dma_wait3A_68 : memref<5000x16xf32, #tpu.memory_space<hbm>>) dst(%arg9 : memref<5000x16xf32, #tpu.memory_space<vmem>>)
    %scan3A_69 = arith.constant 0 : i32
    %scan3A_70 = arith.constant 0 : i32
    %scan3A_71 = arith.constant 40 : i32
    %scan3A_72 = arith.addi %scan3A_70, %scan3A_71 : i32
    %scan3A_73 = arith.constant 1 : i32
    scf.for %scan3A_95 = %scan3A_70 to %scan3A_72 step %scan3A_73  : i32 {
      %mul3A_96 = arith.constant 125 : i32
      %mul3A_97 = arith.muli %scan3A_95, %mul3A_96 : i32
      %dma_start3A_98 = arith.constant 0 : i32
      %dma_start3A_99 = tpu.memref_slice %arg9[%mul3A_97, %dma_start3A_98] : memref<5000x16xf32, #tpu.memory_space<vmem>> -> memref<125x16xf32, #tpu.memory_space<vmem>>
      %dma_start3A_100 = arith.constant 0 : i32
      %dma_start3A_101 = tpu.memref_slice %arg7[%scan3A_95, %dma_start3A_100] : memref<40x125xi32, #tpu.memory_space<vmem>> -> memref<1x125xi32, #tpu.memory_space<vmem>>
      %dma_start3A_102 = tpu.memref_squeeze %dma_start3A_101 : memref<1x125xi32, #tpu.memory_space<vmem>> -> memref<125xi32, #tpu.memory_space<vmem>>
      %dma_start3A_103 = arith.constant 0 : i32
      %dma_start3A_104 = arith.constant 0 : i32
      %dma_start3A_105 = tpu.memref_slice %arg12[%dma_start3A_103, %dma_start3A_104] : memref<10000x16xf32, #tpu.memory_space<vmem_shared>> -> memref<10000x16xf32, #tpu.memory_space<vmem_shared>>
      tpu.enqueue_indirect_dma source(%dma_start3A_99 : memref<125x16xf32, #tpu.memory_space<vmem>>) target(%dma_start3A_105 : memref<10000x16xf32, #tpu.memory_space<vmem_shared>>) offsets(%dma_start3A_102 : memref<125xi32, #tpu.memory_space<vmem>>) semaphore(%arg13 : memref<!tpu.dma_semaphore, #tpu.memory_space<semaphore_mem>>) {add = true}
    }
    %scan3A_74 = arith.constant 40 : i32
    %scan3A_75 = arith.constant 0 : i32
    %scan3A_76 = arith.constant 0 : i32
    %scan3A_77 = arith.constant 312 : i32
    %scan3A_78 = arith.addi %scan3A_76, %scan3A_77 : i32
    %scan3A_79 = arith.constant 1 : i32
    scf.for %scan3A_95 = %scan3A_76 to %scan3A_78 step %scan3A_79  : i32 {
      %mul3A_96 = arith.constant 16 : i32
      %mul3A_97 = arith.muli %scan3A_95, %mul3A_96 : i32
      %get3A_98 = arith.index_cast %mul3A_97 : i32 to index
      %get3A_99 = tpu.vector_load %arg8[%get3A_98] {strides = array<i32>} : memref<5000xi32, #tpu.memory_space<vmem>>, vector<16xi32>,
      tpu.vector_store_idx %arg10[%get3A_99], %broadcast_in_dim3A_35 {add = true} : memref<10000xf32, #tpu.memory_space<vmem>>[vector<16xi32>], vector<16xf32>,
    }
    %scan3A_80 = arith.constant 312 : i32
    %get3A = arith.constant 4984 : index
    %get3A_81 = tpu.vector_load %arg8[%get3A] {strides = array<i32>} : memref<5000xi32, #tpu.memory_space<vmem>>, vector<16xi32>,
    %iota3A = tpu.iota {dimensions = array<i32: 0>} : vector<16xi32>
    %ge3A = arith.constant 8 : i32
    %ge3A_82 = vector.broadcast %ge3A : i32 to vector<16xi32>
    %ge3A_83 = arith.cmpi sge, %iota3A, %ge3A_82 : vector<16xi32>
    tpu.vector_store_idx %arg10[%get3A_81], %broadcast_in_dim3A_35 masked %ge3A_83 {add = true} : memref<10000xf32, #tpu.memory_space<vmem>>[vector<16xi32>], vector<16xf32>, vector<16xi1>
    %scan3A_84 = arith.constant 0 : i32
    %scan3A_85 = arith.constant 0 : i32
    %scan3A_86 = arith.constant 40 : i32
    %scan3A_87 = arith.addi %scan3A_85, %scan3A_86 : i32
    %scan3A_88 = arith.constant 1 : i32
    scf.for %scan3A_95 = %scan3A_85 to %scan3A_87 step %scan3A_88  : i32 {
      %mul3A_96 = arith.constant 125 : i32
      %mul3A_97 = arith.muli %scan3A_95, %mul3A_96 : i32
      %dma_wait3A_98 = arith.constant 0 : i32
      %dma_wait3A_99 = tpu.memref_slice %arg9[%mul3A_97, %dma_wait3A_98] : memref<5000x16xf32, #tpu.memory_space<vmem>> -> memref<125x16xf32, #tpu.memory_space<vmem>>
      %dma_wait3A_100 = arith.constant 0 : i32
      %dma_wait3A_101 = tpu.memref_slice %arg7[%scan3A_95, %dma_wait3A_100] : memref<40x125xi32, #tpu.memory_space<vmem>> -> memref<1x125xi32, #tpu.memory_space<vmem>>
      %dma_wait3A_102 = tpu.memref_squeeze %dma_wait3A_101 : memref<1x125xi32, #tpu.memory_space<vmem>> -> memref<125xi32, #tpu.memory_space<vmem>>
      %dma_wait3A_103 = arith.constant 0 : i32
      %dma_wait3A_104 = arith.constant 0 : i32
      %dma_wait3A_105 = tpu.memref_slice %arg12[%dma_wait3A_103, %dma_wait3A_104] : memref<10000x16xf32, #tpu.memory_space<vmem_shared>> -> memref<10000x16xf32, #tpu.memory_space<vmem_shared>>
      tpu.wait_indirect_dma semaphore(%arg13 : memref<!tpu.dma_semaphore, #tpu.memory_space<semaphore_mem>>) src(%dma_wait3A_99 : memref<125x16xf32, #tpu.memory_space<vmem>>) dst(%dma_wait3A_105 : memref<10000x16xf32, #tpu.memory_space<vmem_shared>>)
    }
    %scan3A_89 = arith.constant 40 : i32
    %barrier3A_90 = arith.constant 0 : index
    tpu.barrier barrier_id(%barrier3A_90)
    %mul3A_91 = arith.constant 625 : i32
    %mul3A_92 = arith.muli %arg1, %mul3A_91 : i32
    %mul3A_93 = arith.constant 625 : i32
    %mul3A_94 = arith.muli %arg1, %mul3A_93 : i32
    "tpu.region"() ({
      %run_scoped3A = tpu.sem_alloc : memref<!tpu.dma_semaphore, #tpu.memory_space<semaphore_mem>>
      %dma_start3A_95 = arith.constant 0 : i32
      %dma_start3A_96 = arith.constant 0 : i32
      %dma_start3A_97 = tpu.memref_slice %arg5[%arg0, %dma_start3A_95, %dma_start3A_96] : memref<2x10000x16xf32, #tpu.memory_space<hbm>> -> memref<1x10000x16xf32, #tpu.memory_space<hbm>>
      %dma_start3A_98 = tpu.memref_squeeze %dma_start3A_97 : memref<1x10000x16xf32, #tpu.memory_space<hbm>> -> memref<10000x16xf32, #tpu.memory_space<hbm>>
      %dma_start3A_99 = arith.constant 0 : i32
      %dma_start3A_100 = tpu.memref_slice %dma_start3A_98[%mul3A_94, %dma_start3A_99] : memref<10000x16xf32, #tpu.memory_space<hbm>> -> memref<625x16xf32, #tpu.memory_space<hbm>>
      %dma_start3A_101 = arith.constant 0 : i32
      %dma_start3A_102 = tpu.memref_slice %arg12[%mul3A_92, %dma_start3A_101] : memref<10000x16xf32, #tpu.memory_space<vmem_shared>> -> memref<625x16xf32, #tpu.memory_space<vmem_shared>>
      tpu.enqueue_dma source(%dma_start3A_102 : memref<625x16xf32, #tpu.memory_space<vmem_shared>>) target(%dma_start3A_100 : memref<625x16xf32, #tpu.memory_space<hbm>>) target_semaphore(%run_scoped3A : memref<!tpu.dma_semaphore, #tpu.memory_space<semaphore_mem>>)
      %dma_wait3A_103 = arith.constant 0 : i32
      %dma_wait3A_104 = arith.constant 0 : i32
      %dma_wait3A_105 = tpu.memref_slice %arg5[%arg0, %dma_wait3A_103, %dma_wait3A_104] : memref<2x10000x16xf32, #tpu.memory_space<hbm>> -> memref<1x10000x16xf32, #tpu.memory_space<hbm>>
      %dma_wait3A_106 = tpu.memref_squeeze %dma_wait3A_105 : memref<1x10000x16xf32, #tpu.memory_space<hbm>> -> memref<10000x16xf32, #tpu.memory_space<hbm>>
      %dma_wait3A_107 = arith.constant 0 : i32
      %dma_wait3A_108 = tpu.memref_slice %dma_wait3A_106[%mul3A_94, %dma_wait3A_107] : memref<10000x16xf32, #tpu.memory_space<hbm>> -> memref<625x16xf32, #tpu.memory_space<hbm>>
      %dma_wait3A_109 = arith.constant 0 : i32
      %dma_wait3A_110 = tpu.memref_slice %arg12[%mul3A_92, %dma_wait3A_109] : memref<10000x16xf32, #tpu.memory_space<vmem_shared>> -> memref<625x16xf32, #tpu.memory_space<vmem_shared>>
      tpu.wait_dma2 semaphore(%run_scoped3A : memref<!tpu.dma_semaphore, #tpu.memory_space<semaphore_mem>>) src(%dma_wait3A_110 : memref<625x16xf32, #tpu.memory_space<vmem_shared>>) dst(%dma_wait3A_108 : memref<625x16xf32, #tpu.memory_space<hbm>>)
      tpu.yield
    }) : () -> ()
    "tpu.region"() ({
      %run_scoped3A = tpu.sem_alloc : memref<!tpu.dma_semaphore, #tpu.memory_space<semaphore_mem>>
      %dma_start3A_95 = arith.constant 0 : i32
      %dma_start3A_96 = tpu.memref_slice %arg6[%add3A, %dma_start3A_95] : memref<32x10000xf32, #tpu.memory_space<hbm>> -> memref<1x10000xf32, #tpu.memory_space<hbm>>
      %dma_start3A_97 = tpu.memref_squeeze %dma_start3A_96 : memref<1x10000xf32, #tpu.memory_space<hbm>> -> memref<10000xf32, #tpu.memory_space<hbm>>
      %dma_start3A_98 = arith.constant 0 : i32
      %dma_start3A_99 = tpu.memref_slice %arg6[%add3A, %dma_start3A_98] : memref<32x10000xf32, #tpu.memory_space<hbm>> -> memref<1x10000xf32, #tpu.memory_space<hbm>>
      %dma_start3A_100 = tpu.memref_squeeze %dma_start3A_99 : memref<1x10000xf32, #tpu.memory_space<hbm>> -> memref<10000xf32, #tpu.memory_space<hbm>>
      tpu.enqueue_dma source(%arg10 : memref<10000xf32, #tpu.memory_space<vmem>>) target(%dma_start3A_100 : memref<10000xf32, #tpu.memory_space<hbm>>) target_semaphore(%run_scoped3A : memref<!tpu.dma_semaphore, #tpu.memory_space<semaphore_mem>>)
      %dma_wait3A_101 = arith.constant 0 : i32
      %dma_wait3A_102 = tpu.memref_slice %arg6[%add3A, %dma_wait3A_101] : memref<32x10000xf32, #tpu.memory_space<hbm>> -> memref<1x10000xf32, #tpu.memory_space<hbm>>
      %dma_wait3A_103 = tpu.memref_squeeze %dma_wait3A_102 : memref<1x10000xf32, #tpu.memory_space<hbm>> -> memref<10000xf32, #tpu.memory_space<hbm>>
      %dma_wait3A_104 = arith.constant 0 : i32
      %dma_wait3A_105 = tpu.memref_slice %arg6[%add3A, %dma_wait3A_104] : memref<32x10000xf32, #tpu.memory_space<hbm>> -> memref<1x10000xf32, #tpu.memory_space<hbm>>
      %dma_wait3A_106 = tpu.memref_squeeze %dma_wait3A_105 : memref<1x10000xf32, #tpu.memory_space<hbm>> -> memref<10000xf32, #tpu.memory_space<hbm>>
      tpu.wait_dma2 semaphore(%run_scoped3A : memref<!tpu.dma_semaphore, #tpu.memory_space<semaphore_mem>>) src(%arg10 : memref<10000xf32, #tpu.memory_space<vmem>>) dst(%dma_wait3A_106 : memref<10000xf32, #tpu.memory_space<hbm>>)
      tpu.yield
    }) : () -> ()
    return
  }
}

#map = affine_map<(d0, d1) -> (0, 0)>
module attributes {stable_mosaic.version = 14 : i64} {
  func.func @_gather_rows_body(%arg0: i32, %arg1: i32, %arg2: memref<10000x16xf32, #tpu.memory_space<hbm>>, %arg3: memref<1280x125xi32, #tpu.memory_space<hbm>>, %arg4: memref<20000x128xf32, #tpu.memory_space<hbm>>, %arg5: memref<40x125xi32, #tpu.memory_space<vmem>>, %arg6: memref<5000x16xf32, #tpu.memory_space<vmem>>, %arg7: memref<!tpu.dma_semaphore, #tpu.memory_space<semaphore_mem>>) attributes {dimension_semantics = [#tpu.dimension_semantics<core_parallel>, #tpu.dimension_semantics<subcore_parallel>], iteration_bounds = array<i64: 2, 16>, scalar_prefetch = 0 : i64, scratch_operands = 3 : i64, tpu.core_type = #tpu.core_type<sc_vector_subcore>, window_params = [{transform_indices = #map}, {transform_indices = #map}, {transform_indices = #map}]} {
    %mul3A = arith.constant 2 : i32
    %mul3A_0 = arith.muli %arg1, %mul3A : i32
    %add3A = arith.addi %mul3A_0, %arg0 : i32
    %jit3A = arith.constant 4 : i32
    %div3A = arith.divsi %add3A, %jit3A : i32
    %sign3A = arith.constant 0 : i32
    %sign3A_1 = arith.cmpi sgt, %add3A, %sign3A : i32
    %sign3A_2 = arith.extui %sign3A_1 : i1 to i32
    %sign3A_3 = arith.constant 0 : i32
    %sign3A_4 = arith.cmpi slt, %add3A, %sign3A_3 : i32
    %sign3A_5 = arith.extui %sign3A_4 : i1 to i32
    %sign3A_6 = arith.subi %sign3A_2, %sign3A_5 : i32
    %sign3A_7 = arith.constant 0 : i32
    %sign3A_8 = arith.cmpi sgt, %jit3A, %sign3A_7 : i32
    %sign3A_9 = arith.extui %sign3A_8 : i1 to i32
    %sign3A_10 = arith.constant 0 : i32
    %sign3A_11 = arith.cmpi slt, %jit3A, %sign3A_10 : i32
    %sign3A_12 = arith.extui %sign3A_11 : i1 to i32
    %sign3A_13 = arith.subi %sign3A_9, %sign3A_12 : i32
    %ne3A = arith.cmpi ne, %sign3A_6, %sign3A_13 : i32
    %rem3A = arith.remsi %add3A, %jit3A : i32
    %ne3A_14 = arith.constant 0 : i32
    %ne3A_15 = arith.cmpi ne, %rem3A, %ne3A_14 : i32
    %and3A = arith.andi %ne3A, %ne3A_15 : i1
    %sub3A = arith.constant 1 : i32
    %sub3A_16 = arith.subi %div3A, %sub3A : i32
    %select_n3A = arith.select %and3A, %sub3A_16, %div3A : i32
    %jit3A_17 = arith.constant 4 : i32
    %eq3A = arith.constant 0 : i32
    %eq3A_18 = arith.cmpi eq, %jit3A_17, %eq3A : i32
    %jit3A_19 = arith.constant 1 : i32
    %select_n3A_20 = arith.select %eq3A_18, %jit3A_19, %jit3A_17 : i32
    %rem3A_21 = arith.remsi %add3A, %select_n3A_20 : i32
    %ne3A_22 = arith.constant 0 : i32
    %ne3A_23 = arith.cmpi ne, %rem3A_21, %ne3A_22 : i32
    %lt3A = arith.constant 0 : i32
    %lt3A_24 = arith.cmpi slt, %rem3A_21, %lt3A : i32
    %lt3A_25 = arith.constant 0 : i32
    %lt3A_26 = arith.cmpi slt, %select_n3A_20, %lt3A_25 : i32
    %ne3A_27 = arith.xori %lt3A_24, %lt3A_26 : i1
    %and3A_28 = arith.andi %ne3A_27, %ne3A_23 : i1
    %add3A_29 = arith.addi %rem3A_21, %select_n3A_20 : i32
    %select_n3A_30 = arith.select %and3A_28, %add3A_29, %rem3A_21 : i32
    %mul3A_31 = arith.constant 5000 : i32
    %mul3A_32 = arith.muli %select_n3A_30, %mul3A_31 : i32
    %mul3A_33 = arith.constant 40 : i32
    %mul3A_34 = arith.muli %add3A, %mul3A_33 : i32
    "tpu.region"() ({
      %run_scoped3A = tpu.sem_alloc : memref<!tpu.dma_semaphore, #tpu.memory_space<semaphore_mem>>
      %dma_start3A = arith.constant 0 : i32
      %dma_start3A_48 = tpu.memref_slice %arg3[%mul3A_34, %dma_start3A] : memref<1280x125xi32, #tpu.memory_space<hbm>> -> memref<40x125xi32, #tpu.memory_space<hbm>>
      %dma_start3A_49 = arith.constant 0 : i32
      %dma_start3A_50 = tpu.memref_slice %arg3[%mul3A_34, %dma_start3A_49] : memref<1280x125xi32, #tpu.memory_space<hbm>> -> memref<40x125xi32, #tpu.memory_space<hbm>>
      tpu.enqueue_dma source(%dma_start3A_50 : memref<40x125xi32, #tpu.memory_space<hbm>>) target(%arg5 : memref<40x125xi32, #tpu.memory_space<vmem>>) target_semaphore(%run_scoped3A : memref<!tpu.dma_semaphore, #tpu.memory_space<semaphore_mem>>)
      %dma_wait3A = arith.constant 0 : i32
      %dma_wait3A_51 = tpu.memref_slice %arg3[%mul3A_34, %dma_wait3A] : memref<1280x125xi32, #tpu.memory_space<hbm>> -> memref<40x125xi32, #tpu.memory_space<hbm>>
      %dma_wait3A_52 = arith.constant 0 : i32
      %dma_wait3A_53 = tpu.memref_slice %arg3[%mul3A_34, %dma_wait3A_52] : memref<1280x125xi32, #tpu.memory_space<hbm>> -> memref<40x125xi32, #tpu.memory_space<hbm>>
      tpu.wait_dma2 semaphore(%run_scoped3A : memref<!tpu.dma_semaphore, #tpu.memory_space<semaphore_mem>>) src(%dma_wait3A_53 : memref<40x125xi32, #tpu.memory_space<hbm>>) dst(%arg5 : memref<40x125xi32, #tpu.memory_space<vmem>>)
      tpu.yield
    }) : () -> ()
    %scan3A = arith.constant 0 : i32
    %scan3A_35 = arith.constant 0 : i32
    %scan3A_36 = arith.constant 40 : i32
    %scan3A_37 = arith.addi %scan3A_35, %scan3A_36 : i32
    %scan3A_38 = arith.constant 1 : i32
    scf.for %scan3A_48 = %scan3A_35 to %scan3A_37 step %scan3A_38  : i32 {
      %mul3A_49 = arith.constant 125 : i32
      %mul3A_50 = arith.muli %scan3A_48, %mul3A_49 : i32
      %dma_start3A = arith.constant 0 : i32
      %dma_start3A_51 = tpu.memref_slice %arg6[%mul3A_50, %dma_start3A] : memref<5000x16xf32, #tpu.memory_space<vmem>> -> memref<125x16xf32, #tpu.memory_space<vmem>>
      %dma_start3A_52 = arith.constant 0 : i32
      %dma_start3A_53 = tpu.memref_slice %arg5[%scan3A_48, %dma_start3A_52] : memref<40x125xi32, #tpu.memory_space<vmem>> -> memref<1x125xi32, #tpu.memory_space<vmem>>
      %dma_start3A_54 = tpu.memref_squeeze %dma_start3A_53 : memref<1x125xi32, #tpu.memory_space<vmem>> -> memref<125xi32, #tpu.memory_space<vmem>>
      %dma_start3A_55 = arith.constant 0 : i32
      %dma_start3A_56 = arith.constant 0 : i32
      %dma_start3A_57 = tpu.memref_slice %arg2[%dma_start3A_55, %dma_start3A_56] : memref<10000x16xf32, #tpu.memory_space<hbm>> -> memref<10000x16xf32, #tpu.memory_space<hbm>>
      tpu.enqueue_indirect_dma source(%dma_start3A_57 : memref<10000x16xf32, #tpu.memory_space<hbm>>) target(%dma_start3A_51 : memref<125x16xf32, #tpu.memory_space<vmem>>) offsets(%dma_start3A_54 : memref<125xi32, #tpu.memory_space<vmem>>) semaphore(%arg7 : memref<!tpu.dma_semaphore, #tpu.memory_space<semaphore_mem>>)
    }
    %scan3A_39 = arith.constant 40 : i32
    %scan3A_40 = arith.constant 0 : i32
    %scan3A_41 = arith.constant 0 : i32
    %scan3A_42 = arith.constant 40 : i32
    %scan3A_43 = arith.addi %scan3A_41, %scan3A_42 : i32
    %scan3A_44 = arith.constant 1 : i32
    scf.for %scan3A_48 = %scan3A_41 to %scan3A_43 step %scan3A_44  : i32 {
      %mul3A_49 = arith.constant 125 : i32
      %mul3A_50 = arith.muli %scan3A_48, %mul3A_49 : i32
      %dma_wait3A = arith.constant 0 : i32
      %dma_wait3A_51 = tpu.memref_slice %arg6[%mul3A_50, %dma_wait3A] : memref<5000x16xf32, #tpu.memory_space<vmem>> -> memref<125x16xf32, #tpu.memory_space<vmem>>
      %dma_wait3A_52 = arith.constant 0 : i32
      %dma_wait3A_53 = tpu.memref_slice %arg5[%scan3A_48, %dma_wait3A_52] : memref<40x125xi32, #tpu.memory_space<vmem>> -> memref<1x125xi32, #tpu.memory_space<vmem>>
      %dma_wait3A_54 = tpu.memref_squeeze %dma_wait3A_53 : memref<1x125xi32, #tpu.memory_space<vmem>> -> memref<125xi32, #tpu.memory_space<vmem>>
      %dma_wait3A_55 = arith.constant 0 : i32
      %dma_wait3A_56 = arith.constant 0 : i32
      %dma_wait3A_57 = tpu.memref_slice %arg2[%dma_wait3A_55, %dma_wait3A_56] : memref<10000x16xf32, #tpu.memory_space<hbm>> -> memref<10000x16xf32, #tpu.memory_space<hbm>>
      tpu.wait_indirect_dma semaphore(%arg7 : memref<!tpu.dma_semaphore, #tpu.memory_space<semaphore_mem>>) src(%dma_wait3A_57 : memref<10000x16xf32, #tpu.memory_space<hbm>>) dst(%dma_wait3A_51 : memref<125x16xf32, #tpu.memory_space<vmem>>)
    }
    %scan3A_45 = arith.constant 40 : i32
    %mul3A_46 = arith.constant 16 : i32
    %mul3A_47 = arith.muli %mul3A_46, %select_n3A : i32
    "tpu.region"() ({
      %run_scoped3A = tpu.sem_alloc : memref<!tpu.dma_semaphore, #tpu.memory_space<semaphore_mem>>
      %dma_start3A = tpu.memref_slice %arg4[%mul3A_32, %mul3A_47] : memref<20000x128xf32, #tpu.memory_space<hbm>> -> memref<5000x16xf32, #tpu.memory_space<hbm>>
      %dma_start3A_48 = tpu.memref_slice %arg4[%mul3A_32, %mul3A_47] : memref<20000x128xf32, #tpu.memory_space<hbm>> -> memref<5000x16xf32, #tpu.memory_space<hbm>>
      tpu.enqueue_dma source(%arg6 : memref<5000x16xf32, #tpu.memory_space<vmem>>) target(%dma_start3A_48 : memref<5000x16xf32, #tpu.memory_space<hbm>>) target_semaphore(%run_scoped3A : memref<!tpu.dma_semaphore, #tpu.memory_space<semaphore_mem>>)
      %dma_wait3A = tpu.memref_slice %arg4[%mul3A_32, %mul3A_47] : memref<20000x128xf32, #tpu.memory_space<hbm>> -> memref<5000x16xf32, #tpu.memory_space<hbm>>
      %dma_wait3A_49 = tpu.memref_slice %arg4[%mul3A_32, %mul3A_47] : memref<20000x128xf32, #tpu.memory_space<hbm>> -> memref<5000x16xf32, #tpu.memory_space<hbm>>
      tpu.wait_dma2 semaphore(%run_scoped3A : memref<!tpu.dma_semaphore, #tpu.memory_space<semaphore_mem>>) src(%arg6 : memref<5000x16xf32, #tpu.memory_space<vmem>>) dst(%dma_wait3A_49 : memref<5000x16xf32, #tpu.memory_space<hbm>>)
      tpu.yield
    }) : () -> ()
    return
  }
}

module attributes {stable_mosaic.version = 14 : i64} {
  func.func @_edge_body(%arg0: i32, %arg1: memref<1000x128xf32, #tpu.memory_space<vmem>>, %arg2: memref<1000x16xf32, #tpu.memory_space<vmem>>, %arg3: memref<1000x16xf32, #tpu.memory_space<vmem>>, %arg4: memref<1000x16xf32, #tpu.memory_space<vmem>>, %arg5: memref<1000x16xf32, #tpu.memory_space<vmem>>, %arg6: memref<1000x16xf32, #tpu.memory_space<vmem>>, %arg7: memref<1000x16xf32, #tpu.memory_space<vmem>>, %arg8: memref<1000x16xf32, #tpu.memory_space<vmem>>, %arg9: memref<1000x16xf32, #tpu.memory_space<vmem>>, %arg10: memref<1x8x1000xf32, #tpu.memory_space<vmem>>, %arg11: memref<16x16xf32, #tpu.memory_space<vmem>>, %arg12: memref<16x1xf32, #tpu.memory_space<vmem>>, %arg13: memref<32x528xf32, #tpu.memory_space<vmem>>, %arg14: memref<256x16xf32, #tpu.memory_space<vmem>>, %arg15: memref<8x128xf32, #tpu.memory_space<vmem>>, %arg16: memref<16x16xf32, #tpu.memory_space<vmem>>, %arg17: memref<1000x128xf32, #tpu.memory_space<vmem>>) attributes {dimension_semantics = [#tpu.dimension_semantics<parallel>], iteration_bounds = array<i64: 20>, scalar_prefetch = 0 : i64, scratch_operands = 0 : i64, tpu.core_type = #tpu.core_type<tc>, window_params = [{transform_indices = @transform_0, window_bounds = array<i64: 1000, 128>}, {transform_indices = @transform_1, window_bounds = array<i64: 1000, 16>}, {transform_indices = @transform_2, window_bounds = array<i64: 1000, 16>}, {transform_indices = @transform_3, window_bounds = array<i64: 1000, 16>}, {transform_indices = @transform_4, window_bounds = array<i64: 1000, 16>}, {transform_indices = @transform_5, window_bounds = array<i64: 1000, 16>}, {transform_indices = @transform_6, window_bounds = array<i64: 1000, 16>}, {transform_indices = @transform_7, window_bounds = array<i64: 1000, 16>}, {transform_indices = @transform_8, window_bounds = array<i64: 1000, 16>}, {transform_indices = @transform_9, window_bounds = array<i64: 1, 8, 1000>}, {pipeline_mode = #tpu.pipeline_mode<synchronous>, transform_indices = @transform_10, window_bounds = array<i64: 16, 16>}, {pipeline_mode = #tpu.pipeline_mode<synchronous>, transform_indices = @transform_11, window_bounds = array<i64: 16, 1>}, {pipeline_mode = #tpu.pipeline_mode<synchronous>, transform_indices = @transform_12, window_bounds = array<i64: 32, 528>}, {pipeline_mode = #tpu.pipeline_mode<synchronous>, transform_indices = @transform_13, window_bounds = array<i64: 256, 16>}, {pipeline_mode = #tpu.pipeline_mode<synchronous>, transform_indices = @transform_14, window_bounds = array<i64: 8, 128>}, {pipeline_mode = #tpu.pipeline_mode<synchronous>, transform_indices = @transform_15, window_bounds = array<i64: 16, 16>}, {transform_indices = @transform_16, window_bounds = array<i64: 1000, 128>}]} {
    %get3A = arith.constant 0 : index
    %get3A_0 = arith.constant 0 : index
    %get3A_1 = vector.load %arg11[%get3A, %get3A_0] : memref<16x16xf32, #tpu.memory_space<vmem>>, vector<16x16xf32>
    %get3A_2 = arith.constant 0 : index
    %get3A_3 = arith.constant 0 : index
    %get3A_4 = vector.load %arg12[%get3A_2, %get3A_3] : memref<16x1xf32, #tpu.memory_space<vmem>>, vector<16x1xf32>
    %get3A_5 = arith.constant 0 : index
    %get3A_6 = arith.constant 0 : index
    %get3A_7 = vector.load %arg14[%get3A_5, %get3A_6] : memref<256x16xf32, #tpu.memory_space<vmem>>, vector<256x16xf32>
    %get3A_8 = arith.constant 0 : index
    %get3A_9 = arith.constant 0 : index
    %get3A_10 = vector.load %arg1[%get3A_8, %get3A_9] : memref<1000x128xf32, #tpu.memory_space<vmem>>, vector<1000x128xf32>
    %get3A_11 = arith.constant 0 : index
    %get3A_12 = arith.constant 0 : index
    %get3A_13 = vector.load %arg13[%get3A_11, %get3A_12] : memref<32x528xf32, #tpu.memory_space<vmem>>, vector<32x528xf32>
    %get3A_14 = arith.constant 0 : index
    %get3A_15 = arith.constant 0 : index
    %get3A_16 = vector.load %arg16[%get3A_14, %get3A_15] : memref<16x16xf32, #tpu.memory_space<vmem>>, vector<16x16xf32>
    %get3A_17 = arith.constant 0 : index
    %get3A_18 = arith.constant 0 : index
    %get3A_19 = vector.load %arg2[%get3A_17, %get3A_18] : memref<1000x16xf32, #tpu.memory_space<vmem>>, vector<1000x16xf32>
    %get3A_20 = arith.constant 0 : index
    %get3A_21 = arith.constant 0 : index
    %get3A_22 = vector.load %arg3[%get3A_20, %get3A_21] : memref<1000x16xf32, #tpu.memory_space<vmem>>, vector<1000x16xf32>
    %get3A_23 = arith.constant 0 : index
    %get3A_24 = arith.constant 0 : index
    %get3A_25 = vector.load %arg4[%get3A_23, %get3A_24] : memref<1000x16xf32, #tpu.memory_space<vmem>>, vector<1000x16xf32>
    %get3A_26 = arith.constant 0 : index
    %get3A_27 = arith.constant 0 : index
    %get3A_28 = vector.load %arg5[%get3A_26, %get3A_27] : memref<1000x16xf32, #tpu.memory_space<vmem>>, vector<1000x16xf32>
    %get3A_29 = arith.constant 0 : index
    %get3A_30 = arith.constant 0 : index
    %get3A_31 = vector.load %arg6[%get3A_29, %get3A_30] : memref<1000x16xf32, #tpu.memory_space<vmem>>, vector<1000x16xf32>
    %get3A_32 = arith.constant 0 : index
    %get3A_33 = arith.constant 0 : index
    %get3A_34 = vector.load %arg7[%get3A_32, %get3A_33] : memref<1000x16xf32, #tpu.memory_space<vmem>>, vector<1000x16xf32>
    %get3A_35 = arith.constant 0 : index
    %get3A_36 = arith.constant 0 : index
    %get3A_37 = vector.load %arg8[%get3A_35, %get3A_36] : memref<1000x16xf32, #tpu.memory_space<vmem>>, vector<1000x16xf32>
    %get3A_38 = arith.constant 0 : index
    %get3A_39 = arith.constant 0 : index
    %get3A_40 = vector.load %arg9[%get3A_38, %get3A_39] : memref<1000x16xf32, #tpu.memory_space<vmem>>, vector<1000x16xf32>
    %concatenate3A = tpu.concatenate %get3A_19, %get3A_22, %get3A_25, %get3A_28, %get3A_31, %get3A_34, %get3A_37, %get3A_40 in 0 : vector<1000x16xf32>, vector<1000x16xf32>, vector<1000x16xf32>, vector<1000x16xf32>, vector<1000x16xf32>, vector<1000x16xf32>, vector<1000x16xf32>, vector<1000x16xf32> -> vector<8000x16xf32>
    %dot_general3A = arith.constant dense<0.000000e+00> : vector<16x8000xf32>
    %dot_general3A_41 = tpu.matmul %get3A_1, %concatenate3A, %dot_general3A {dimension_numbers = #tpu.dot_dimension_numbers<[0], [1], [1], [0], [0, 1, 1, 0], [], []>, transpose_lhs_hint = false} : vector<16x16xf32>, vector<8000x16xf32>, vector<16x8000xf32> -> vector<16x8000xf32>
    %add3A = vector.broadcast %get3A_4 : vector<16x1xf32> to vector<16x8000xf32>
    %add3A_42 = arith.addf %dot_general3A_41, %add3A : vector<16x8000xf32>
    %max3A = arith.constant 0.000000e+00 : f32
    %max3A_43 = vector.broadcast %max3A : f32 to vector<16x8000xf32>
    %max3A_44 = arith.maximumf %add3A_42, %max3A_43 : vector<16x8000xf32>
    %slice3A = vector.extract_strided_slice %get3A_10 {offsets = [0, 0], sizes = [1000, 16], strides = [1, 1]} : vector<1000x128xf32> to vector<1000x16xf32>
    %dot_general3A_45 = arith.constant dense<0.000000e+00> : vector<16x1000xf32>
    %dot_general3A_46 = tpu.matmul %get3A_16, %slice3A, %dot_general3A_45 {dimension_numbers = #tpu.dot_dimension_numbers<[0], [1], [1], [0], [0, 1, 1, 0], [], []>, transpose_lhs_hint = false} : vector<16x16xf32>, vector<1000x16xf32>, vector<16x1000xf32> -> vector<16x1000xf32>
    %slice3A_47 = vector.extract_strided_slice %get3A_10 {offsets = [0, 16], sizes = [1000, 16], strides = [1, 1]} : vector<1000x128xf32> to vector<1000x16xf32>
    %dot_general3A_48 = arith.constant dense<0.000000e+00> : vector<16x1000xf32>
    %dot_general3A_49 = tpu.matmul %get3A_16, %slice3A_47, %dot_general3A_48 {dimension_numbers = #tpu.dot_dimension_numbers<[0], [1], [1], [0], [0, 1, 1, 0], [], []>, transpose_lhs_hint = false} : vector<16x16xf32>, vector<1000x16xf32>, vector<16x1000xf32> -> vector<16x1000xf32>
    %slice3A_50 = vector.extract_strided_slice %get3A_10 {offsets = [0, 32], sizes = [1000, 16], strides = [1, 1]} : vector<1000x128xf32> to vector<1000x16xf32>
    %dot_general3A_51 = arith.constant dense<0.000000e+00> : vector<16x1000xf32>
    %dot_general3A_52 = tpu.matmul %get3A_16, %slice3A_50, %dot_general3A_51 {dimension_numbers = #tpu.dot_dimension_numbers<[0], [1], [1], [0], [0, 1, 1, 0], [], []>, transpose_lhs_hint = false} : vector<16x16xf32>, vector<1000x16xf32>, vector<16x1000xf32> -> vector<16x1000xf32>
    %slice3A_53 = vector.extract_strided_slice %get3A_10 {offsets = [0, 48], sizes = [1000, 16], strides = [1, 1]} : vector<1000x128xf32> to vector<1000x16xf32>
    %dot_general3A_54 = arith.constant dense<0.000000e+00> : vector<16x1000xf32>
    %dot_general3A_55 = tpu.matmul %get3A_16, %slice3A_53, %dot_general3A_54 {dimension_numbers = #tpu.dot_dimension_numbers<[0], [1], [1], [0], [0, 1, 1, 0], [], []>, transpose_lhs_hint = false} : vector<16x16xf32>, vector<1000x16xf32>, vector<16x1000xf32> -> vector<16x1000xf32>
    %slice3A_56 = vector.extract_strided_slice %get3A_10 {offsets = [0, 64], sizes = [1000, 16], strides = [1, 1]} : vector<1000x128xf32> to vector<1000x16xf32>
    %dot_general3A_57 = arith.constant dense<0.000000e+00> : vector<16x1000xf32>
    %dot_general3A_58 = tpu.matmul %get3A_16, %slice3A_56, %dot_general3A_57 {dimension_numbers = #tpu.dot_dimension_numbers<[0], [1], [1], [0], [0, 1, 1, 0], [], []>, transpose_lhs_hint = false} : vector<16x16xf32>, vector<1000x16xf32>, vector<16x1000xf32> -> vector<16x1000xf32>
    %slice3A_59 = vector.extract_strided_slice %get3A_10 {offsets = [0, 80], sizes = [1000, 16], strides = [1, 1]} : vector<1000x128xf32> to vector<1000x16xf32>
    %dot_general3A_60 = arith.constant dense<0.000000e+00> : vector<16x1000xf32>
    %dot_general3A_61 = tpu.matmul %get3A_16, %slice3A_59, %dot_general3A_60 {dimension_numbers = #tpu.dot_dimension_numbers<[0], [1], [1], [0], [0, 1, 1, 0], [], []>, transpose_lhs_hint = false} : vector<16x16xf32>, vector<1000x16xf32>, vector<16x1000xf32> -> vector<16x1000xf32>
    %slice3A_62 = vector.extract_strided_slice %get3A_10 {offsets = [0, 96], sizes = [1000, 16], strides = [1, 1]} : vector<1000x128xf32> to vector<1000x16xf32>
    %dot_general3A_63 = arith.constant dense<0.000000e+00> : vector<16x1000xf32>
    %dot_general3A_64 = tpu.matmul %get3A_16, %slice3A_62, %dot_general3A_63 {dimension_numbers = #tpu.dot_dimension_numbers<[0], [1], [1], [0], [0, 1, 1, 0], [], []>, transpose_lhs_hint = false} : vector<16x16xf32>, vector<1000x16xf32>, vector<16x1000xf32> -> vector<16x1000xf32>
    %slice3A_65 = vector.extract_strided_slice %get3A_10 {offsets = [0, 112], sizes = [1000, 16], strides = [1, 1]} : vector<1000x128xf32> to vector<1000x16xf32>
    %dot_general3A_66 = arith.constant dense<0.000000e+00> : vector<16x1000xf32>
    %dot_general3A_67 = tpu.matmul %get3A_16, %slice3A_65, %dot_general3A_66 {dimension_numbers = #tpu.dot_dimension_numbers<[0], [1], [1], [0], [0, 1, 1, 0], [], []>, transpose_lhs_hint = false} : vector<16x16xf32>, vector<1000x16xf32>, vector<16x1000xf32> -> vector<16x1000xf32>
    %concatenate3A_68 = tpu.concatenate %dot_general3A_46, %dot_general3A_49, %dot_general3A_52, %dot_general3A_55, %dot_general3A_58, %dot_general3A_61, %dot_general3A_64, %dot_general3A_67 in 1 : vector<16x1000xf32>, vector<16x1000xf32>, vector<16x1000xf32>, vector<16x1000xf32>, vector<16x1000xf32>, vector<16x1000xf32>, vector<16x1000xf32>, vector<16x1000xf32> -> vector<16x8000xf32>
    %concatenate3A_69 = tpu.concatenate %max3A_44, %concatenate3A_68 in 0 : vector<16x8000xf32>, vector<16x8000xf32> -> vector<32x8000xf32>
    %dot_general3A_70 = arith.constant dense<0.000000e+00> : vector<528x8000xf32>
    %dot_general3A_71 = tpu.matmul %get3A_13, %concatenate3A_69, %dot_general3A_70 {dimension_numbers = #tpu.dot_dimension_numbers<[0], [0], [1], [1], [0, 1, 1, 1], [], []>, transpose_lhs_hint = false} : vector<32x528xf32>, vector<32x8000xf32>, vector<528x8000xf32> -> vector<528x8000xf32>
    %slice3A_72 = vector.extract_strided_slice %dot_general3A_71 {offsets = [0, 0], sizes = [256, 8000], strides = [1, 1]} : vector<528x8000xf32> to vector<256x8000xf32>
    %slice3A_73 = vector.extract_strided_slice %dot_general3A_71 {offsets = [256, 0], sizes = [256, 8000], strides = [1, 1]} : vector<528x8000xf32> to vector<256x8000xf32>
    %mul3A = arith.mulf %slice3A_72, %slice3A_73 : vector<256x8000xf32>
    %dot_general3A_74 = arith.constant dense<0.000000e+00> : vector<16x8000xf32>
    %dot_general3A_75 = tpu.matmul %get3A_7, %mul3A, %dot_general3A_74 {dimension_numbers = #tpu.dot_dimension_numbers<[0], [0], [1], [1], [0, 1, 1, 1], [], []>, transpose_lhs_hint = false} : vector<256x16xf32>, vector<256x8000xf32>, vector<16x8000xf32> -> vector<16x8000xf32>
    %slice3A_76 = vector.extract_strided_slice %dot_general3A_71 {offsets = [512, 0], sizes = [16, 8000], strides = [1, 1]} : vector<528x8000xf32> to vector<16x8000xf32>
    %add3A_77 = arith.addf %dot_general3A_75, %slice3A_76 : vector<16x8000xf32>
    %slice3A_78 = vector.extract_strided_slice %add3A_77 {offsets = [0, 0], sizes = [16, 1000], strides = [1, 1]} : vector<16x8000xf32> to vector<16x1000xf32>
    %slice3A_79 = vector.extract_strided_slice %add3A_77 {offsets = [0, 1000], sizes = [16, 1000], strides = [1, 1]} : vector<16x8000xf32> to vector<16x1000xf32>
    %slice3A_80 = vector.extract_strided_slice %add3A_77 {offsets = [0, 2000], sizes = [16, 1000], strides = [1, 1]} : vector<16x8000xf32> to vector<16x1000xf32>
    %slice3A_81 = vector.extract_strided_slice %add3A_77 {offsets = [0, 3000], sizes = [16, 1000], strides = [1, 1]} : vector<16x8000xf32> to vector<16x1000xf32>
    %slice3A_82 = vector.extract_strided_slice %add3A_77 {offsets = [0, 4000], sizes = [16, 1000], strides = [1, 1]} : vector<16x8000xf32> to vector<16x1000xf32>
    %slice3A_83 = vector.extract_strided_slice %add3A_77 {offsets = [0, 5000], sizes = [16, 1000], strides = [1, 1]} : vector<16x8000xf32> to vector<16x1000xf32>
    %slice3A_84 = vector.extract_strided_slice %add3A_77 {offsets = [0, 6000], sizes = [16, 1000], strides = [1, 1]} : vector<16x8000xf32> to vector<16x1000xf32>
    %slice3A_85 = vector.extract_strided_slice %add3A_77 {offsets = [0, 7000], sizes = [16, 1000], strides = [1, 1]} : vector<16x8000xf32> to vector<16x1000xf32>
    %concatenate3A_86 = tpu.concatenate %slice3A_78, %slice3A_79, %slice3A_80, %slice3A_81, %slice3A_82, %slice3A_83, %slice3A_84, %slice3A_85 in 0 : vector<16x1000xf32>, vector<16x1000xf32>, vector<16x1000xf32>, vector<16x1000xf32>, vector<16x1000xf32>, vector<16x1000xf32>, vector<16x1000xf32>, vector<16x1000xf32> -> vector<128x1000xf32>
    %transpose3A = tpu.transpose %concatenate3A_86, [1, 0] : vector<128x1000xf32> -> vector<1000x128xf32>
    %get3A_87 = arith.constant 0 : index
    %get3A_88 = arith.constant 0 : index
    %get3A_89 = arith.constant 0 : index
    %get3A_90 = vector.load %arg10[%get3A_87, %get3A_88, %get3A_89] : memref<1x8x1000xf32, #tpu.memory_space<vmem>>, vector<1x8x1000xf32>
    %get3A_91 = vector.shape_cast %get3A_90 : vector<1x8x1000xf32> to vector<8x1000xf32>
    %transpose3A_92 = tpu.transpose %get3A_91, [1, 0] : vector<8x1000xf32> -> vector<1000x8xf32>
    %get3A_93 = arith.constant 0 : index
    %get3A_94 = arith.constant 0 : index
    %get3A_95 = vector.load %arg15[%get3A_93, %get3A_94] : memref<8x128xf32, #tpu.memory_space<vmem>>, vector<8x128xf32>
    %dot_general3A_96 = arith.constant dense<0.000000e+00> : vector<1000x128xf32>
    %dot_general3A_97 = tpu.matmul %transpose3A_92, %get3A_95, %dot_general3A_96 {dimension_numbers = #tpu.dot_dimension_numbers<[1], [0], [0], [1], [0, 0, 1, 1], [], []>, transpose_lhs_hint = false} : vector<1000x8xf32>, vector<8x128xf32>, vector<1000x128xf32> -> vector<1000x128xf32>
    %mul3A_98 = arith.constant 2.500000e-01 : f32
    %mul3A_99 = vector.broadcast %mul3A_98 : f32 to vector<1000x128xf32>
    %mul3A_100 = arith.mulf %dot_general3A_97, %mul3A_99 : vector<1000x128xf32>
    %mul3A_101 = arith.mulf %transpose3A, %mul3A_100 : vector<1000x128xf32>
    %swap3A = arith.constant 0 : index
    %swap3A_102 = arith.constant 0 : index
    %swap3A_103 = vector.load %arg17[%swap3A, %swap3A_102] : memref<1000x128xf32, #tpu.memory_space<vmem>>, vector<1000x128xf32>
    tpu.vector_store %arg17[%swap3A, %swap3A_102], %mul3A_101 {strides = array<i32>} : memref<1000x128xf32, #tpu.memory_space<vmem>>, vector<1000x128xf32>,
    return
  }
  func.func @transform_0(%arg0: i32) -> (i32, i32) {
    %c0_i32 = arith.constant 0 : i32
    %c0_i32_0 = arith.constant 0 : i32
    return %arg0, %c0_i32 : i32, i32
  }
  func.func @transform_1(%arg0: i32) -> (i32, i32) {
    %add3A = arith.constant 0 : i32
    %add3A_0 = arith.addi %add3A, %arg0 : i32
    %c0_i32 = arith.constant 0 : i32
    %c0_i32_1 = arith.constant 0 : i32
    return %add3A_0, %c0_i32 : i32, i32
  }
  func.func @transform_2(%arg0: i32) -> (i32, i32) {
    %add3A = arith.constant 20 : i32
    %add3A_0 = arith.addi %add3A, %arg0 : i32
    %c0_i32 = arith.constant 0 : i32
    %c0_i32_1 = arith.constant 0 : i32
    return %add3A_0, %c0_i32 : i32, i32
  }
  func.func @transform_3(%arg0: i32) -> (i32, i32) {
    %add3A = arith.constant 40 : i32
    %add3A_0 = arith.addi %add3A, %arg0 : i32
    %c0_i32 = arith.constant 0 : i32
    %c0_i32_1 = arith.constant 0 : i32
    return %add3A_0, %c0_i32 : i32, i32
  }
  func.func @transform_4(%arg0: i32) -> (i32, i32) {
    %add3A = arith.constant 60 : i32
    %add3A_0 = arith.addi %add3A, %arg0 : i32
    %c0_i32 = arith.constant 0 : i32
    %c0_i32_1 = arith.constant 0 : i32
    return %add3A_0, %c0_i32 : i32, i32
  }
  func.func @transform_5(%arg0: i32) -> (i32, i32) {
    %add3A = arith.constant 80 : i32
    %add3A_0 = arith.addi %add3A, %arg0 : i32
    %c0_i32 = arith.constant 0 : i32
    %c0_i32_1 = arith.constant 0 : i32
    return %add3A_0, %c0_i32 : i32, i32
  }
  func.func @transform_6(%arg0: i32) -> (i32, i32) {
    %add3A = arith.constant 100 : i32
    %add3A_0 = arith.addi %add3A, %arg0 : i32
    %c0_i32 = arith.constant 0 : i32
    %c0_i32_1 = arith.constant 0 : i32
    return %add3A_0, %c0_i32 : i32, i32
  }
  func.func @transform_7(%arg0: i32) -> (i32, i32) {
    %add3A = arith.constant 120 : i32
    %add3A_0 = arith.addi %add3A, %arg0 : i32
    %c0_i32 = arith.constant 0 : i32
    %c0_i32_1 = arith.constant 0 : i32
    return %add3A_0, %c0_i32 : i32, i32
  }
  func.func @transform_8(%arg0: i32) -> (i32, i32) {
    %add3A = arith.constant 140 : i32
    %add3A_0 = arith.addi %add3A, %arg0 : i32
    %c0_i32 = arith.constant 0 : i32
    %c0_i32_1 = arith.constant 0 : i32
    return %add3A_0, %c0_i32 : i32, i32
  }
  func.func @transform_9(%arg0: i32) -> (i32, i32, i32) {
    %c0_i32 = arith.constant 0 : i32
    %c0_i32_0 = arith.constant 0 : i32
    %c0_i32_1 = arith.constant 0 : i32
    return %arg0, %c0_i32, %c0_i32_0 : i32, i32, i32
  }
  func.func @transform_10(%arg0: i32) -> (i32, i32) {
    %c0_i32 = arith.constant 0 : i32
    %c0_i32_0 = arith.constant 0 : i32
    %c0_i32_1 = arith.constant 0 : i32
    return %c0_i32, %c0_i32_0 : i32, i32
  }
  func.func @transform_11(%arg0: i32) -> (i32, i32) {
    %c0_i32 = arith.constant 0 : i32
    %c0_i32_0 = arith.constant 0 : i32
    %c0_i32_1 = arith.constant 0 : i32
    return %c0_i32, %c0_i32_0 : i32, i32
  }
  func.func @transform_12(%arg0: i32) -> (i32, i32) {
    %c0_i32 = arith.constant 0 : i32
    %c0_i32_0 = arith.constant 0 : i32
    %c0_i32_1 = arith.constant 0 : i32
    return %c0_i32, %c0_i32_0 : i32, i32
  }
  func.func @transform_13(%arg0: i32) -> (i32, i32) {
    %c0_i32 = arith.constant 0 : i32
    %c0_i32_0 = arith.constant 0 : i32
    %c0_i32_1 = arith.constant 0 : i32
    return %c0_i32, %c0_i32_0 : i32, i32
  }
  func.func @transform_14(%arg0: i32) -> (i32, i32) {
    %c0_i32 = arith.constant 0 : i32
    %c0_i32_0 = arith.constant 0 : i32
    %c0_i32_1 = arith.constant 0 : i32
    return %c0_i32, %c0_i32_0 : i32, i32
  }
  func.func @transform_15(%arg0: i32) -> (i32, i32) {
    %c0_i32 = arith.constant 0 : i32
    %c0_i32_0 = arith.constant 0 : i32
    %c0_i32_1 = arith.constant 0 : i32
    return %c0_i32, %c0_i32_0 : i32, i32
  }
  func.func @transform_16(%arg0: i32) -> (i32, i32) {
    %c0_i32 = arith.constant 0 : i32
    %c0_i32_0 = arith.constant 0 : i32
    return %arg0, %c0_i32 : i32, i32
  }
}

module attributes {stable_mosaic.version = 14 : i64} {
  func.func @_fin_body(%arg0: memref<2x10000x16xf32, #tpu.memory_space<vmem>>, %arg1: memref<32x10000xf32, #tpu.memory_space<vmem>>, %arg2: memref<10000x16xf32, #tpu.memory_space<vmem>>, %arg3: memref<1x16xf32, #tpu.memory_space<vmem>>, %arg4: memref<1x16xf32, #tpu.memory_space<vmem>>, %arg5: memref<10000x16xf32, #tpu.memory_space<vmem>>) attributes {dimension_semantics = [], scalar_prefetch = 0 : i64, scratch_operands = 0 : i64, tpu.core_type = #tpu.core_type<tc>} {
    %get3A = arith.constant 0 : index
    %get3A_0 = arith.constant 0 : index
    %get3A_1 = arith.constant 0 : index
    %get3A_2 = vector.load %arg0[%get3A, %get3A_0, %get3A_1] : memref<2x10000x16xf32, #tpu.memory_space<vmem>>, vector<1x10000x16xf32>
    %get3A_3 = vector.shape_cast %get3A_2 : vector<1x10000x16xf32> to vector<10000x16xf32>
    %get3A_4 = arith.constant 1 : index
    %get3A_5 = arith.constant 0 : index
    %get3A_6 = arith.constant 0 : index
    %get3A_7 = vector.load %arg0[%get3A_4, %get3A_5, %get3A_6] : memref<2x10000x16xf32, #tpu.memory_space<vmem>>, vector<1x10000x16xf32>
    %get3A_8 = vector.shape_cast %get3A_7 : vector<1x10000x16xf32> to vector<10000x16xf32>
    %add3A = arith.addf %get3A_3, %get3A_8 : vector<10000x16xf32>
    %get3A_9 = arith.constant 0 : index
    %get3A_10 = arith.constant 0 : index
    %get3A_11 = vector.load %arg1[%get3A_9, %get3A_10] : memref<32x10000xf32, #tpu.memory_space<vmem>>, vector<32x10000xf32>
    %reduce_sum3A = arith.constant dense<0.000000e+00> : vector<10000xf32>
    %reduce_sum3A_12 = vector.multi_reduction <add>, %get3A_11, %reduce_sum3A [0] : vector<32x10000xf32> to vector<10000xf32>
    %max3A = arith.constant 1.000000e+00 : f32
    %max3A_13 = vector.broadcast %max3A : f32 to vector<10000xf32>
    %max3A_14 = arith.maximumf %reduce_sum3A_12, %max3A_13 : vector<10000xf32>
    %broadcast_in_dim3A = vector.shape_cast %max3A_14 : vector<10000xf32> to vector<10000x1xf32>
    %div3A = vector.broadcast %broadcast_in_dim3A : vector<10000x1xf32> to vector<10000x16xf32>
    %div3A_15 = arith.divf %add3A, %div3A : vector<10000x16xf32>
    %get3A_16 = arith.constant 0 : index
    %get3A_17 = arith.constant 0 : index
    %get3A_18 = vector.load %arg2[%get3A_16, %get3A_17] : memref<10000x16xf32, #tpu.memory_space<vmem>>, vector<10000x16xf32>
    %add3A_19 = arith.addf %div3A_15, %get3A_18 : vector<10000x16xf32>
    %reduce_sum3A_20 = arith.constant dense<0.000000e+00> : vector<16xf32>
    %reduce_sum3A_21 = vector.multi_reduction <add>, %add3A_19, %reduce_sum3A_20 [0] : vector<10000x16xf32> to vector<16xf32>
    %broadcast_in_dim3A_22 = vector.shape_cast %reduce_sum3A_21 : vector<16xf32> to vector<1x16xf32>
    %div3A_23 = arith.constant 1.000000e+04 : f32
    %div3A_24 = vector.broadcast %div3A_23 : f32 to vector<1x16xf32>
    %div3A_25 = arith.divf %broadcast_in_dim3A_22, %div3A_24 : vector<1x16xf32>
    %sub3A = vector.broadcast %div3A_25 : vector<1x16xf32> to vector<10000x16xf32>
    %sub3A_26 = arith.subf %add3A_19, %sub3A : vector<10000x16xf32>
    %integer_pow3A = arith.mulf %sub3A_26, %sub3A_26 : vector<10000x16xf32>
    %reduce_sum3A_27 = arith.constant dense<0.000000e+00> : vector<16xf32>
    %reduce_sum3A_28 = vector.multi_reduction <add>, %integer_pow3A, %reduce_sum3A_27 [0] : vector<10000x16xf32> to vector<16xf32>
    %broadcast_in_dim3A_29 = vector.shape_cast %reduce_sum3A_28 : vector<16xf32> to vector<1x16xf32>
    %div3A_30 = arith.constant 1.000000e+04 : f32
    %div3A_31 = vector.broadcast %div3A_30 : f32 to vector<1x16xf32>
    %div3A_32 = arith.divf %broadcast_in_dim3A_29, %div3A_31 : vector<1x16xf32>
    %sub3A_33 = vector.broadcast %div3A_25 : vector<1x16xf32> to vector<10000x16xf32>
    %sub3A_34 = arith.subf %add3A_19, %sub3A_33 : vector<10000x16xf32>
    %add3A_35 = arith.constant 9.99999974E-6 : f32
    %add3A_36 = vector.broadcast %add3A_35 : f32 to vector<1x16xf32>
    %add3A_37 = arith.addf %div3A_32, %add3A_36 : vector<1x16xf32>
    %rsqrt3A = math.rsqrt %add3A_37 : vector<1x16xf32>
    %mul3A = vector.broadcast %rsqrt3A : vector<1x16xf32> to vector<10000x16xf32>
    %mul3A_38 = arith.mulf %sub3A_34, %mul3A : vector<10000x16xf32>
    %get3A_39 = arith.constant 0 : index
    %get3A_40 = arith.constant 0 : index
    %get3A_41 = vector.load %arg3[%get3A_39, %get3A_40] : memref<1x16xf32, #tpu.memory_space<vmem>>, vector<1x16xf32>
    %mul3A_42 = vector.broadcast %get3A_41 : vector<1x16xf32> to vector<10000x16xf32>
    %mul3A_43 = arith.mulf %mul3A_38, %mul3A_42 : vector<10000x16xf32>
    %get3A_44 = arith.constant 0 : index
    %get3A_45 = arith.constant 0 : index
    %get3A_46 = vector.load %arg4[%get3A_44, %get3A_45] : memref<1x16xf32, #tpu.memory_space<vmem>>, vector<1x16xf32>
    %add3A_47 = vector.broadcast %get3A_46 : vector<1x16xf32> to vector<10000x16xf32>
    %add3A_48 = arith.addf %mul3A_43, %add3A_47 : vector<10000x16xf32>
    %swap3A = arith.constant 0 : index
    %swap3A_49 = arith.constant 0 : index
    %swap3A_50 = vector.load %arg5[%swap3A, %swap3A_49] : memref<10000x16xf32, #tpu.memory_space<vmem>>, vector<10000x16xf32>
    tpu.vector_store %arg5[%swap3A, %swap3A_49], %add3A_48 {strides = array<i32>} : memref<10000x16xf32, #tpu.memory_space<vmem>>, vector<10000x16xf32>,
    return
  }
}

</mosaic_0001>

<sc_bundles>
// kernel: kernel.6.cloned.1.call-start
scs
__scs_entry_jumppad:
0x0: {  	(pc) =	sbr.rel $0x88, $3  }
0x1: {  	(tag) =	ssettag $0x0;
	lr =	simm.s32 $0x1  }
0x2: {  	[smem:$0x3F97] =	sst lr;
	_ =	strace $0xD0000000  }
0x3: {  	_ = 	snop  }
0x4: {  	_ = 	snop  }
0x5: {  	_ = 	snop  }
0x6: {  	_ = 	snop  }
0x7: {  	_ = 	snop  }
__scs_overlays_trampoline_lowered:
0x8: {  	[smem:$0x3FA6] =	sst s0  }
0x9: {  	[smem:$0x3FA7] =	sst s1  }
0xa: {  	[smem:$0x3FA8] =	sst s2  }
0xb: {  	[smem:$0x3FA9] =	sst s3  }
0xc: {  	[smem:$0x3FAA] =	sst s4  }
0xd: {  	[smem:$0x3FAB] =	sst s5  }
0xe: {  	[smem:$0x3FAC] =	sst s6  }
0xf: {  	[smem:$0x3FAD] =	sst s7  }
0x10: {  	[smem:$0x3FAE] =	sst s8  }
0x11: {  	[smem:$0x3FAF] =	sst s9;
	s0 =	simm.s32 @!p0 $0x0  }
0x12: {  	s1 =	sld [smem:$0x3F95];
	s0 =	simm.s32 @p0 $0x1  }
0x13: {  	[smem:$0x3FB0] =	sst s0;
	s0 =	simm.s32 @!p1 $0x0  }
0x14: {  	s2 =	sld [smem:$0x3F94];
	s0 =	simm.s32 @p1 $0x1  }
0x15: {  	[smem:$0x3FB1] =	sst s0;
	s0 =	simm.s32 @!p2 $0x0  }
0x16: {  	s3 =	sld [smem:$0x3FDB];
	s0 =	simm.s32 @p2 $0x1  }
0x17: {  	s4 =	simm.s32 $0x1BF5;
	[smem:$0x3FB3] =	sst s0  }
0x18: {  	s0 =	sld [smem:$0x3F96];
	_ =	swait.ge [sflag:s4], $0x0  }
0x19: {  	s7 =	sld [smem:$0x3F97]  }
0x1a: {  	s8 =	sadd.s32 $0xFFFFE003, lr  }
0x1b: {  	s9 =	sadd.s32 $0xFFFFFEF7, lr;
	s5 =	simm.s32 $0xFFFFFFFF;
	p2 =	slt.u32 s8, $0xFFFFF086  }
0x1c: {  	p1 =	slt.u32 s9, $0xF7A;
	s5 =	simm.s32 @!p2 $0x0  }
0x1d: {  	s5 =	simm.s32 @p1 $0x1;
	p0 =	seq.s32 s7, s2  }
0x1e: {  	s7 =	smul.u32 @!p0 $0xF7A, s2;
	p2 =	seq.s32 @!p0 s5, $0x0  }
0x1f: {  	s9 =	smul.u32 $0xF7A, s1;
	s8 =	simm.s32 @!p0 $0x1BF5;
	p2 =	por !p2, p0  }
0x20: {  	[sflag:s8] =	ssyncset.s32 @!p0 $0xFFFFF086;
	s6 =	sadd.s32 @!p0 s3, s7;
	s7 =	simm.s32 @!p0 $0x108  }
0x21: {  	s3 =	sadd.s32 s3, s9;
	s6 =	sadd.s32 @!p0 $0x88, s6;
	s7 =	simm.s32 @p2 $0x1082  }
0x22: {  	[simem:s7], [sflag:s8] =	dma.local @!p0 [hbm:s6], $0xF7A  }
0x23: {  	s9 =	sor.u32 $0xD0000000, s2;
	s6 =	simm.s32 $0x108;
	_ =	swait.ge @!p0 [sflag:s8], $0x0  }
0x24: {  	s3 =	sadd.s32 $0x88, s3;
	s6 =	simm.s32 @!p1 $0x1082;
	[sflag:s4] =	ssyncset.s32 $0xFFFFF086  }
0x25: {  	[simem:s6], [sflag:s4] =	dma.local [hbm:s3], $0xF7A  }
0x26: {  	[smem:$0x3F97] =	sst s1;
	(tag) =	ssettag s2;
	_ =	strace s9  }
0x27: {  	s1 =	sld [smem:$0x3FA7]  }
0x28: {  	s2 =	sld [smem:$0x3FA8]  }
0x29: {  	s4 =	sld [smem:$0x3FAA]  }
0x2a: {  	p0 =	seq.s32 s5, $0x0;
	s5 =	sld [smem:$0x3FAB]  }
0x2b: {  	s6 =	sld [smem:$0x3FAC]  }
0x2c: {  	s7 =	sld [smem:$0x3FAD]  }
0x2d: {  	s3 =	simm.s32 $0x108;
	s8 =	sld [smem:$0x3FAE]  }
0x2e: {  	s3 =	simm.s32 @!p0 $0x1082;
	s9 =	sld [smem:$0x3FAF]  }
0x2f: {  	lr =	sadd.s32 s0, s3;
	s0 =	sld [smem:$0x3FA6]  }
0x30: {  	s3 =	sld [smem:$0x3FA9]  }
0x31: {  	[smem:$0x3FB2] =	sst s10  }
0x32: {  	s10 =	sld [smem:$0x3FB0];
	_ =	sdelay $0x3  }
0x33: {  	p0 =	seq.s32 s10, $0x1;
	s10 =	sld [smem:$0x3FB2];
	_ =	sdelay $0x3  }
0x34: {  	[smem:$0x3FB2] =	sst s10  }
0x35: {  	s10 =	sld [smem:$0x3FB1];
	_ =	sdelay $0x3  }
0x36: {  	p1 =	seq.s32 s10, $0x1;
	s10 =	sld [smem:$0x3FB2];
	_ =	sdelay $0x3  }
0x37: {  	[smem:$0x3FB2] =	sst s10  }
0x38: {  	s10 =	sld [smem:$0x3FB3]  }
0x39: {  	_ = 	snop;
	(pc) =	sbr.ind lr, $3  }
0x3a: {  	_ = 	snop  }
0x3b: {  	_ = 	snop  }
0x3c: {  	p2 =	seq.s32 s10, $0x1;
	s10 =	sld [smem:$0x3FB2]  }
0x3d: {  	_ =	shalt  }
0x3e: {  	_ =	shalt  }
0x3f: {  	_ =	shalt  }
0x40: {  	_ =	shalt  }
0x41: {  	_ =	shalt  }
0x42: {  	_ =	shalt  }
0x43: {  	_ =	shalt  }
0x44: {  	_ =	shalt  }
0x45: {  	_ =	shalt  }
0x46: {  	_ =	shalt  }
0x47: {  	_ =	shalt  }
0x48: {  	_ =	shalt  }
0x49: {  	_ =	shalt  }
0x4a: {  	_ =	shalt  }
0x4b: {  	_ =	shalt  }
0x4c: {  	_ =	shalt  }
0x4d: {  	_ =	shalt  }
0x4e: {  	_ =	shalt  }
0x4f: {  	_ =	shalt  }
0x50: {  	_ =	shalt  }
0x51: {  	_ =	shalt  }
0x52: {  	_ =	shalt  }
0x53: {  	_ =	shalt  }
0x54: {  	_ =	shalt  }
0x55: {  	_ =	shalt  }
0x56: {  	_ =	shalt  }
0x57: {  	_ =	shalt  }
0x58: {  	_ =	shalt  }
0x59: {  	_ =	shalt  }
0x5a: {  	_ =	shalt  }
0x5b: {  	_ =	shalt  }
0x5c: {  	_ =	shalt  }
0x5d: {  	_ =	shalt  }
0x5e: {  	_ =	shalt  }
0x5f: {  	_ =	shalt  }
0x60: {  	_ =	shalt  }
0x61: {  	_ =	shalt  }
0x62: {  	_ =	shalt  }
0x63: {  	_ =	shalt  }
0x64: {  	_ =	shalt  }
0x65: {  	_ =	shalt  }
0x66: {  	_ =	shalt  }
0x67: {  	_ =	shalt  }
0x68: {  	_ =	shalt  }
0x69: {  	_ =	shalt  }
0x6a: {  	_ =	shalt  }
0x6b: {  	_ =	shalt  }
0x6c: {  	_ =	shalt  }
0x6d: {  	_ =	shalt  }
0x6e: {  	_ =	shalt  }
0x6f: {  	_ =	shalt  }
0x70: {  	_ =	shalt  }
0x71: {  	_ =	shalt  }
0x72: {  	_ =	shalt  }
0x73: {  	_ =	shalt  }
0x74: {  	_ =	shalt  }
0x75: {  	_ =	shalt  }
0x76: {  	_ =	shalt  }
0x77: {  	_ =	shalt  }
0x78: {  	_ =	shalt  }
0x79: {  	_ =	shalt  }
0x7a: {  	_ =	shalt  }
0x7b: {  	_ =	shalt  }
0x7c: {  	_ =	shalt  }
0x7d: {  	_ =	shalt  }
0x7e: {  	_ =	shalt  }
0x7f: {  	_ =	shalt  }
0x80: {  	_ =	shalt  }
0x81: {  	_ =	shalt  }
0x82: {  	_ =	shalt  }
0x83: {  	_ =	shalt  }
0x84: {  	_ =	shalt  }
0x85: {  	_ =	shalt  }
0x86: {  	_ =	shalt  }
0x87: {  	_ =	shalt  }
.Lfunc_end0:
.L_simem_size_0:
called_computation_lowered:
.L_overlay_start_0:
0x88: {  	s2 =	sld [smem:$0x3FD9]  }
0x89: {  	s3 =	sld [smem:$0x3FFE];
	_ =	sdelay $0x1  }
0x8a: {  	s1 =	srdreg.scid  }
0x8b: {  	s0 =	sand.u32 $0x1, s1  }
0x8c: {  	s17 =	sshll.u32 s0, $0xA;
	s2 =	sadd.s32 s3, s2  }
0x8d: {  	s2 =	sadd.s32 s2, s17  }
0x8e: {  	[smem:$0x3FBE] =	sst s2  }
0x8f: {  	_ = 	snop  }
0x90: {  	s2 =	sld [smem:$0x3FD0];
	(tm) =	ssettm $0x1  }
0x91: {  	s18 =	sld [smem:$0x3FFB];
	_ =	sdelay $0x3  }
0x92: {  	_ =	strace s18  }
0x93: {  	s3 =	sld [smem:$0x3FFC];
	_ =	sdelay $0x3  }
0x94: {  	_ =	strace s3  }
0x95: {  	s3 =	sld [smem:$0x3FFD];
	_ =	sdelay $0x3  }
0x96: {  	_ =	strace s3  }
0x97: {  	_ =	strace $0x8FFFFFFF  }
0x98: {  	s19 =	sld [smem:$0x3FDB];
	_ =	sdelay $0x1  }
0x99: {  	s4 =	simm.s32 $_scs_section_size  }
0x9a: {  	s5 =	simm.s32 $_size__tile_overlayer_lowered;
	s6 =	simm.s32 $_tile_overlayer_lowered  }
0x9b: {  	s22 =	simm.s32 $0x1BFF;
	s21 =	sshll.u32 s6, $0x1;
	s3 =	sadd.s32 s4, s19  }
0x9c: {  	s7 =	simm.s32 $0x0;
	s20 =	sshll.u32 s5, $0x1;
	s5 =	sadd.s32 s21, s3  }
0x9d: {  	[timem:s7], [sflag:s22] =	dma.local [hbm:s5], s20  }
0x9e: {  	_ =	swait.ge [sflag:s22], s20  }
0x9f: {  	s4 =	ssub.s32 $0x0, s20;
	[sflag:s22] =	ssyncset.done $0x0  }
0xa0: {  	[sflag:s22] =	ssyncadd.s32 s4;
	_ =	sdelay $0x1  }
0xa1: {  	s23 =	simm.s32 $0x1B8B  }
0xa2: {  	_ =	swait.ge [sflag:s23], $0x1  }
0xa3: {  	[sflag:s23] =	ssyncset.done $0x0  }
0xa4: {  	s25 =	simm.s32 $0x1B8E;
	s24 =	sld [smem:$0x3FFE];
	[sflag:s23] =	ssyncadd.s32 $0xFFFFFFFF  }
0xa5: {  	s26 =	simm.s32 $execute0_lowered;
	[smem:$0x3FD2] =	sst s25  }
0xa6: {  	s5 =	sshll.u32 s26, $0x1;
	_ =	strace $0x80000046;
	[dreg:$0x1] =	wrdreg $0xFFFFFFFF  }
0xa7: {  	s28 =	simm.s32 $_size_execute0_lowered;
	s3 =	sadd.s32 s3, s5;
	[dreg:$0x0] =	wrdreg $0x0  }
0xa8: {  	s5 =	sshll.u32 s28, $0x1;
	[dreg:$0x2] =	wrdreg s3  }
0xa9: {  	[dreg:$0x3] =	wrdreg s5  }
0xaa: {  	[dreg:$0x4] =	wrdreg $0xC0  }
0xab: {  	_ =	task [dreg:s7], $0x5FFFF  }
0xac: {  	[dreg:$0x1] =	wrdreg $0xFFFFFFFF  }
0xad: {  	[dreg:$0x0] =	wrdreg $0x60  }
0xae: {  	[dreg:$0x2] =	wrdreg s2  }
0xaf: {  	[dreg:$0x3] =	wrdreg s24  }
0xb0: {  	[dreg:$0x4] =	wrdreg $0x9  }
0xb1: {  	_ =	task.clear_ibuf [dreg:s7], $0x5FFFF;
	_ =	strace $0x90000046  }
0xb2: {  	s29 =	simm.s32 $0x9;
	_ =	strace $0x80000048  }
0xb3: {  	_ =	swait.ge [sflag:s29], $0x1  }
0xb4: {  	[sflag:s29] =	ssyncadd.s32 $0xFFFFFFFF  }
0xb5: {  	_ =	strace $0x90000048  }
0xb6: {  	_ =	sfence  }
0xb7: {  	s30 =	sld [smem:$0x0];
	_ =	sdelay $0x2  }
0xb8: {  	s31 =	sshll.u32 s1, $0xD;
	s1 =	sshrl.u32 s1, $0x2  }
0xb9: {  	s3 =	sand.u32 $0x4000, s31;
	s1 =	sadd.s32 s1, s30  }
0xba: {  	s0 =	sor.u32 s3, s0;
	s1 =	sshll.u32 s1, $0x11  }
0xbb: {  	s0 =	sor.u32 s1, s0  }
0xbc: {  	s0 =	sadd.s32 $0x8F2B, s0  }
0xbd: {  	[sflag:s0] =	ssyncadd.remote.s32 $0x1  }
0xbe: {  	_ =	sfence.sel $0xFFFF  }
0xbf: {  	[dreg:$0x0] =	wrdreg $0xFFFFFFFF;
	(pc) =	sbr.abs _section_cstart, $3  }
0xc0: {  	[dreg:$0x1] =	wrdreg $0xFFFFFFFF  }
0xc1: {  	_ =	task.clear_ibuf [dreg:s7], $0x2FFFF;
	_ =	strace $0x9FFFFFFF  }
0xc2: {  	(tm) =	ssettm $0x7FFFFFFF  }
0xc3: {  	_ =	shalt  }
tec
execute0_lowered:
.L_overlay_start_1:
0x0: {  	(tag) =	ssettag $0x1  }
0x1: {  	s1 =	srdreg.scid  }
0x2: {  	s0 =	stileid.u32;
	s2 =	rddreg [dreg:$0x0]  }
0x3: {  	s5 =	rddreg [dreg:$0x1];
	s3 =	simm.s32 $0x0;
	s9 =	simm.s32 $0x1  }
0x4: {  	s10 =	simm.s32 $0x10;
	s4 =	sand.u32 $0x1, s1;
	s29 =	sshll.u32 s0, $0x1  }
0x5: {  	s11 =	simm.s32 $0x80;
	s12 =	simm.s32 $0x1400;
	s6 =	sor.u32 s4, s29  }
0x6: {  	s13 =	simm.s32 $0x0;
	s1 =	rddreg [dreg:$0x2];
	s7 =	sand.u32 $0x3, s6  }
0x7: {  	s8 =	sshll.u32 s0, $0x3;
	[smem:$0x7FF] =	sst s3;
	s7 =	smul.u32 $0x9C400, s7  }
0x8: {  	s8 =	sand.u32 $0x70, s8;
	s4 =	ssub.s32 $0x2, s4;
	s6 =	smul.u32 $0x280, s6  }
0x9: {  	_ =	strace $0x80000047;
	s30 =	sshrl.u32 s4, $0x1;
	s7 =	sor.u32 s8, s7  }
0xa: {  	s31 =	ssub.s32 s4, s30;
	s6 =	sadd.s32 s6, s5;
	s7 =	sshrl.u32 s7, $0x3  }
0xb: {  	s4 =	sadd.s32 $0x2F400, s6;
	s6 =	smax.u32 s31, $0x1;
	s5 =	sadd.s32 s7, s5  }
0xc: {  	s8 =	simm.s32 $0x7D;
	s7 =	simm.s32 $0x2;
	s5 =	sadd.s32 $0x34400, s5  }
.LBB2_1:
0xd: {  	[tilespmem:s3], [sflag:$0x2] =	stream.linear.gather [hbm4b:s4+s3], $0x1400, $0x38;
	[tilespmem:$0x14C80] =	vst v63  }
0xe: {  	_ =	swait.ge [sflag:s7], $0x1400  }
0xf: {  	[sflag:s7] =	ssyncset.done $0x0  }
0x10: {  	s14 =	simm.s32 $0x1400;
	s15 =	simm.s32 $0x0;
	[sflag:s7] =	ssyncadd.s32 $0xFFFFEC00  }
.LBB2_2:
0x11: {  	p0 =	sne.s32 s15, $0x4E00  }
.Ltmp0:
0x12: {  	_ = 	snop;
	(pc) =	sbr.rel @p0 .LBB2_2-.Ltmp0, $4  }
0x13: {  	_ = 	snop  }
0x14: {  	s16 =	sshra.s32 s15, $0x2  }
0x15: {  	[tilespmem:s14], [sflag:$0x1] =	stream.indirect.gather [hbm4b:s2+s8], $0x10, s16, s8, $0xb8;
	[tilespmem:$0x14C80] =	vst v63  }
0x16: {  	s15 =	sadd.s32 $0x200, s15;
	s14 =	sadd.s32 $0x7D0, s14  }
0x17: {  	_ =	swait.ge [sflag:s9], $0x7D0  }
0x18: {  	s14 =	simm.s32 $0x27;
	[sflag:s9] =	ssyncset.done $0x0  }
.LBB2_4:
0x19: {  	p0 =	sne.s32 s14, $0x1;
	s14 =	sadd.s32 $0xFFFFFFFF, s14;
	[sflag:s9] =	ssyncadd.s32 $0xFFFFF830  }
.Ltmp1:
0x1a: {  	(pc) =	sbr.rel @p0 .LBB2_4-.Ltmp1, $3  }
0x1b: {  	_ =	sdelay $0x1  }
0x1c: {  	_ =	swait.ge [sflag:s9], $0x7D0  }
0x1d: {  	[sflag:s9] =	ssyncset.done $0x0  }
0x1e: {  	s13 =	sadd.s32 $0x1, s13  }
0x1f: {  	p0 =	sne.s32 s13, s6  }
.Ltmp2:
0x20: {  	[sflag:s9] =	ssyncadd.s32 $0xFFFFF830;
	(pc) =	sbr.rel @p0 .LBB2_1-.Ltmp2, $4  }
0x21: {  	[hbm4b:s5+s10] =	stream.strided.scatter [tilespmem:s12], [sflag:$0x2], $0x13880, s11, s10, $0x38;
	[tilespmem:$0x14C80] =	vst v63  }
0x22: {  	_ =	swait.ge [sflag:s7], $0x13880  }
0x23: {  	[sflag:s7] =	ssyncset.done $0x0  }
0x24: {  	[sflag:s7] =	ssyncadd.s32 $0xFFFEC780  }
0x25: {  	_ =	sfence.sel $0x180000  }
0x26: {  	[bflag:$0x0] =	sbarrier.arrive $0xFFFF  }
0x27: {  	p0 =	sne.s32 s0, $0x0;
	_ =	strace $0x90000047  }
0x28: {  	s0 =	sadd.s32 @!p0 $0x100000, s1;
	[bflag:$0x2] =	sbarrier.arrive $0xFFFF  }
0x29: {  	[sflag:s0] =	ssyncadd.tile.s32 @!p0 $0x1;
	_ =	shalt  }
.Lfunc_end2:
_tile_overlayer_lowered:
.L_overlay_start_2:
0x2a: {  	(tag) =	ssettag $0x2  }
0x2b: {  	s0 =	rddreg [dreg:$0x0];
	s2 =	stileid.u32  }
0x2c: {  	s1 =	rddreg [dreg:$0x1];
	p0 =	sne.s32 s2, $0x0  }
0x2d: {  	s3 =	rddreg [dreg:$0x2];
	[bflag:$0x3] =	sbarrier.arrive $0xFFFF;
	s2 =	simm.s32 @!p0 $0x1C02  }
0x2e: {  	[timem:s3], [sflag:s2] =	dma.local @!p0 [hbm:s0], s1  }
0x2f: {  	s0 =	simm.s32 @!p0 $0x2  }
0x30: {  	_ =	swait.ge @!p0 [sflag:s0], s1  }
0x31: {  	s1 =	ssub.s32 @!p0 $0x0, s1;
	[sflag:s0] =	ssyncset.done @!p0 $0x0  }
0x32: {  	[sflag:s0] =	ssyncadd.s32 @!p0 s1  }
0x33: {  	[bflag:$0x3] =	sbarrier.arrive $0xFFFF  }
0x34: {  	_ =	shalt  }

// kernel: kernel.9.cloned.1.call-start
scs
__scs_entry_jumppad:
0x0: {  	(pc) =	sbr.rel $0x88, $3  }
0x1: {  	(tag) =	ssettag $0x0;
	lr =	simm.s32 $0x1  }
0x2: {  	[smem:$0x3F97] =	sst lr;
	_ =	strace $0xD0000000  }
0x3: {  	_ = 	snop  }
0x4: {  	_ = 	snop  }
0x5: {  	_ = 	snop  }
0x6: {  	_ = 	snop  }
0x7: {  	_ = 	snop  }
__scs_overlays_trampoline_lowered:
0x8: {  	[smem:$0x3FA6] =	sst s0  }
0x9: {  	[smem:$0x3FA7] =	sst s1  }
0xa: {  	[smem:$0x3FA8] =	sst s2  }
0xb: {  	[smem:$0x3FA9] =	sst s3  }
0xc: {  	[smem:$0x3FAA] =	sst s4  }
0xd: {  	[smem:$0x3FAB] =	sst s5  }
0xe: {  	[smem:$0x3FAC] =	sst s6  }
0xf: {  	[smem:$0x3FAD] =	sst s7  }
0x10: {  	[smem:$0x3FAE] =	sst s8  }
0x11: {  	[smem:$0x3FAF] =	sst s9;
	s0 =	simm.s32 @!p0 $0x0  }
0x12: {  	s1 =	sld [smem:$0x3F95];
	s0 =	simm.s32 @p0 $0x1  }
0x13: {  	[smem:$0x3FB0] =	sst s0;
	s0 =	simm.s32 @!p1 $0x0  }
0x14: {  	s2 =	sld [smem:$0x3F94];
	s0 =	simm.s32 @p1 $0x1  }
0x15: {  	[smem:$0x3FB1] =	sst s0;
	s0 =	simm.s32 @!p2 $0x0  }
0x16: {  	s3 =	sld [smem:$0x3FDB];
	s0 =	simm.s32 @p2 $0x1  }
0x17: {  	s4 =	simm.s32 $0x1BF5;
	[smem:$0x3FB3] =	sst s0  }
0x18: {  	s0 =	sld [smem:$0x3F96];
	_ =	swait.ge [sflag:s4], $0x0  }
0x19: {  	s7 =	sld [smem:$0x3F97]  }
0x1a: {  	s8 =	sadd.s32 $0xFFFFE003, lr  }
0x1b: {  	s9 =	sadd.s32 $0xFFFFFEF7, lr;
	s5 =	simm.s32 $0xFFFFFFFF;
	p2 =	slt.u32 s8, $0xFFFFF086  }
0x1c: {  	p1 =	slt.u32 s9, $0xF7A;
	s5 =	simm.s32 @!p2 $0x0  }
0x1d: {  	s5 =	simm.s32 @p1 $0x1;
	p0 =	seq.s32 s7, s2  }
0x1e: {  	s7 =	smul.u32 @!p0 $0xF7A, s2;
	p2 =	seq.s32 @!p0 s5, $0x0  }
0x1f: {  	s9 =	smul.u32 $0xF7A, s1;
	s8 =	simm.s32 @!p0 $0x1BF5;
	p2 =	por !p2, p0  }
0x20: {  	[sflag:s8] =	ssyncset.s32 @!p0 $0xFFFFF086;
	s6 =	sadd.s32 @!p0 s3, s7;
	s7 =	simm.s32 @!p0 $0x108  }
0x21: {  	s3 =	sadd.s32 s3, s9;
	s6 =	sadd.s32 @!p0 $0x88, s6;
	s7 =	simm.s32 @p2 $0x1082  }
0x22: {  	[simem:s7], [sflag:s8] =	dma.local @!p0 [hbm:s6], $0xF7A  }
0x23: {  	s9 =	sor.u32 $0xD0000000, s2;
	s6 =	simm.s32 $0x108;
	_ =	swait.ge @!p0 [sflag:s8], $0x0  }
0x24: {  	s3 =	sadd.s32 $0x88, s3;
	s6 =	simm.s32 @!p1 $0x1082;
	[sflag:s4] =	ssyncset.s32 $0xFFFFF086  }
0x25: {  	[simem:s6], [sflag:s4] =	dma.local [hbm:s3], $0xF7A  }
0x26: {  	[smem:$0x3F97] =	sst s1;
	(tag) =	ssettag s2;
	_ =	strace s9  }
0x27: {  	s1 =	sld [smem:$0x3FA7]  }
0x28: {  	s2 =	sld [smem:$0x3FA8]  }
0x29: {  	s4 =	sld [smem:$0x3FAA]  }
0x2a: {  	p0 =	seq.s32 s5, $0x0;
	s5 =	sld [smem:$0x3FAB]  }
0x2b: {  	s6 =	sld [smem:$0x3FAC]  }
0x2c: {  	s7 =	sld [smem:$0x3FAD]  }
0x2d: {  	s3 =	simm.s32 $0x108;
	s8 =	sld [smem:$0x3FAE]  }
0x2e: {  	s3 =	simm.s32 @!p0 $0x1082;
	s9 =	sld [smem:$0x3FAF]  }
0x2f: {  	lr =	sadd.s32 s0, s3;
	s0 =	sld [smem:$0x3FA6]  }
0x30: {  	s3 =	sld [smem:$0x3FA9]  }
0x31: {  	[smem:$0x3FB2] =	sst s10  }
0x32: {  	s10 =	sld [smem:$0x3FB0];
	_ =	sdelay $0x3  }
0x33: {  	p0 =	seq.s32 s10, $0x1;
	s10 =	sld [smem:$0x3FB2];
	_ =	sdelay $0x3  }
0x34: {  	[smem:$0x3FB2] =	sst s10  }
0x35: {  	s10 =	sld [smem:$0x3FB1];
	_ =	sdelay $0x3  }
0x36: {  	p1 =	seq.s32 s10, $0x1;
	s10 =	sld [smem:$0x3FB2];
	_ =	sdelay $0x3  }
0x37: {  	[smem:$0x3FB2] =	sst s10  }
0x38: {  	s10 =	sld [smem:$0x3FB3]  }
0x39: {  	_ = 	snop;
	(pc) =	sbr.ind lr, $3  }
0x3a: {  	_ = 	snop  }
0x3b: {  	_ = 	snop  }
0x3c: {  	p2 =	seq.s32 s10, $0x1;
	s10 =	sld [smem:$0x3FB2]  }
0x3d: {  	_ =	shalt  }
0x3e: {  	_ =	shalt  }
0x3f: {  	_ =	shalt  }
0x40: {  	_ =	shalt  }
0x41: {  	_ =	shalt  }
0x42: {  	_ =	shalt  }
0x43: {  	_ =	shalt  }
0x44: {  	_ =	shalt  }
0x45: {  	_ =	shalt  }
0x46: {  	_ =	shalt  }
0x47: {  	_ =	shalt  }
0x48: {  	_ =	shalt  }
0x49: {  	_ =	shalt  }
0x4a: {  	_ =	shalt  }
0x4b: {  	_ =	shalt  }
0x4c: {  	_ =	shalt  }
0x4d: {  	_ =	shalt  }
0x4e: {  	_ =	shalt  }
0x4f: {  	_ =	shalt  }
0x50: {  	_ =	shalt  }
0x51: {  	_ =	shalt  }
0x52: {  	_ =	shalt  }
0x53: {  	_ =	shalt  }
0x54: {  	_ =	shalt  }
0x55: {  	_ =	shalt  }
0x56: {  	_ =	shalt  }
0x57: {  	_ =	shalt  }
0x58: {  	_ =	shalt  }
0x59: {  	_ =	shalt  }
0x5a: {  	_ =	shalt  }
0x5b: {  	_ =	shalt  }
0x5c: {  	_ =	shalt  }
0x5d: {  	_ =	shalt  }
0x5e: {  	_ =	shalt  }
0x5f: {  	_ =	shalt  }
0x60: {  	_ =	shalt  }
0x61: {  	_ =	shalt  }
0x62: {  	_ =	shalt  }
0x63: {  	_ =	shalt  }
0x64: {  	_ =	shalt  }
0x65: {  	_ =	shalt  }
0x66: {  	_ =	shalt  }
0x67: {  	_ =	shalt  }
0x68: {  	_ =	shalt  }
0x69: {  	_ =	shalt  }
0x6a: {  	_ =	shalt  }
0x6b: {  	_ =	shalt  }
0x6c: {  	_ =	shalt  }
0x6d: {  	_ =	shalt  }
0x6e: {  	_ =	shalt  }
0x6f: {  	_ =	shalt  }
0x70: {  	_ =	shalt  }
0x71: {  	_ =	shalt  }
0x72: {  	_ =	shalt  }
0x73: {  	_ =	shalt  }
0x74: {  	_ =	shalt  }
0x75: {  	_ =	shalt  }
0x76: {  	_ =	shalt  }
0x77: {  	_ =	shalt  }
0x78: {  	_ =	shalt  }
0x79: {  	_ =	shalt  }
0x7a: {  	_ =	shalt  }
0x7b: {  	_ =	shalt  }
0x7c: {  	_ =	shalt  }
0x7d: {  	_ =	shalt  }
0x7e: {  	_ =	shalt  }
0x7f: {  	_ =	shalt  }
0x80: {  	_ =	shalt  }
0x81: {  	_ =	shalt  }
0x82: {  	_ =	shalt  }
0x83: {  	_ =	shalt  }
0x84: {  	_ =	shalt  }
0x85: {  	_ =	shalt  }
0x86: {  	_ =	shalt  }
0x87: {  	_ =	shalt  }
.Lfunc_end0:
.L_simem_size_0:
called_computation.1_lowered:
.L_overlay_start_0:
0x88: {  	s2 =	sld [smem:$0x3FD9]  }
0x89: {  	s3 =	sld [smem:$0x3FFE];
	_ =	sdelay $0x1  }
0x8a: {  	s1 =	srdreg.scid  }
0x8b: {  	s0 =	sand.u32 $0x1, s1  }
0x8c: {  	s16 =	sshll.u32 s0, $0xA;
	s2 =	sadd.s32 s3, s2  }
0x8d: {  	s2 =	sadd.s32 s2, s16  }
0x8e: {  	[smem:$0x3FBE] =	sst s2  }
0x8f: {  	_ = 	snop  }
0x90: {  	(tm) =	ssettm $0x1  }
0x91: {  	s17 =	sld [smem:$0x3FFB];
	_ =	sdelay $0x3  }
0x92: {  	_ =	strace s17  }
0x93: {  	s2 =	sld [smem:$0x3FFC];
	_ =	sdelay $0x3  }
0x94: {  	_ =	strace s2  }
0x95: {  	s2 =	sld [smem:$0x3FFD];
	_ =	sdelay $0x3  }
0x96: {  	_ =	strace s2  }
0x97: {  	_ =	strace $0x8FFFFFFF  }
0x98: {  	s18 =	sld [smem:$0x3FDB];
	_ =	sdelay $0x1  }
0x99: {  	s19 =	simm.s32 $_scs_section_size  }
0x9a: {  	s4 =	simm.s32 $_size__tile_overlayer_lowered;
	s5 =	simm.s32 $_tile_overlayer_lowered  }
0x9b: {  	s22 =	simm.s32 $0x1BFF;
	s21 =	sshll.u32 s5, $0x1;
	s2 =	sadd.s32 s19, s18  }
0x9c: {  	s6 =	simm.s32 $0x0;
	s20 =	sshll.u32 s4, $0x1;
	s4 =	sadd.s32 s21, s2  }
0x9d: {  	[timem:s6], [sflag:s22] =	dma.local [hbm:s4], s20  }
0x9e: {  	_ =	swait.ge [sflag:s22], s20  }
0x9f: {  	s3 =	ssub.s32 $0x0, s20;
	[sflag:s22] =	ssyncset.done $0x0  }
0xa0: {  	[sflag:s22] =	ssyncadd.s32 s3;
	_ =	sdelay $0x1  }
0xa1: {  	s23 =	simm.s32 $0x1B8B  }
0xa2: {  	_ =	swait.ge [sflag:s23], $0x1  }
0xa3: {  	[sflag:s23] =	ssyncset.done $0x0  }
0xa4: {  	s25 =	simm.s32 $0x1B8E;
	s24 =	sld [smem:$0x3FFE];
	[sflag:s23] =	ssyncadd.s32 $0xFFFFFFFF  }
0xa5: {  	s26 =	simm.s32 $execute0_lowered;
	[smem:$0x3FD2] =	sst s25  }
0xa6: {  	s4 =	sshll.u32 s26, $0x1;
	_ =	strace $0x80000049;
	[dreg:$0x1] =	wrdreg $0xFFFFFFFF  }
0xa7: {  	s28 =	simm.s32 $_size_execute0_lowered;
	s2 =	sadd.s32 s2, s4;
	[dreg:$0x0] =	wrdreg $0x0  }
0xa8: {  	s4 =	sshll.u32 s28, $0x1;
	[dreg:$0x2] =	wrdreg s2  }
0xa9: {  	[dreg:$0x3] =	wrdreg s4  }
0xaa: {  	[dreg:$0x4] =	wrdreg $0xC0  }
0xab: {  	_ =	task [dreg:s6], $0x5FFFF  }
0xac: {  	[dreg:$0x1] =	wrdreg $0xFFFFFFFF  }
0xad: {  	[dreg:$0x0] =	wrdreg $0x60  }
0xae: {  	[dreg:$0x2] =	wrdreg s24  }
0xaf: {  	[dreg:$0x3] =	wrdreg $0x1AE280  }
0xb0: {  	[dreg:$0x4] =	wrdreg $0x9  }
0xb1: {  	_ =	task.clear_ibuf [dreg:s6], $0x5FFFF;
	_ =	strace $0x90000049  }
0xb2: {  	s29 =	simm.s32 $0x9;
	_ =	strace $0x8000004B  }
0xb3: {  	_ =	swait.ge [sflag:s29], $0x1  }
0xb4: {  	[sflag:s29] =	ssyncadd.s32 $0xFFFFFFFF  }
0xb5: {  	_ =	strace $0x9000004B  }
0xb6: {  	_ =	sfence  }
0xb7: {  	s30 =	sld [smem:$0x0];
	_ =	sdelay $0x2  }
0xb8: {  	s31 =	sshll.u32 s1, $0xD;
	s1 =	sshrl.u32 s1, $0x2  }
0xb9: {  	s3 =	sand.u32 $0x4000, s31;
	s1 =	sadd.s32 s1, s30  }
0xba: {  	s0 =	sor.u32 s3, s0;
	s1 =	sshll.u32 s1, $0x11  }
0xbb: {  	s0 =	sor.u32 s1, s0  }
0xbc: {  	s0 =	sadd.s32 $0x8F2B, s0  }
0xbd: {  	[sflag:s0] =	ssyncadd.remote.s32 $0x1  }
0xbe: {  	_ =	sfence.sel $0xFFFF  }
0xbf: {  	[dreg:$0x0] =	wrdreg $0xFFFFFFFF;
	(pc) =	sbr.abs _section_cstart, $3  }
0xc0: {  	[dreg:$0x1] =	wrdreg $0xFFFFFFFF  }
0xc1: {  	_ =	task.clear_ibuf [dreg:s6], $0x2FFFF;
	_ =	strace $0x9FFFFFFF  }
0xc2: {  	(tm) =	ssettm $0x7FFFFFFF  }
0xc3: {  	_ =	shalt  }
tec
execute0_lowered:
.L_overlay_start_1:
0x0: {  	(tag) =	ssettag $0x1  }
0x1: {  	s1 =	srdreg.scid;
	s6 =	rddreg [dreg:$0x0]  }
0x2: {  	s0 =	stileid.u32;
	s2 =	rddreg [dreg:$0x1]  }
0x3: {  	s3 =	simm.s32 $0x0;
	s14 =	simm.s32 $0x18718;
	s15 =	simm.s32 $0x2  }
0x4: {  	s16 =	simm.s32 $0x1;
	s17 =	simm.s32 $0x7D;
	s18 =	simm.s32 $0x16008  }
0x5: {  	s4 =	sand.u32 $0x1, s1;
	s30 =	sshll.u32 s0, $0x1;
	s12 =	smul.u32 $0x2710, s0  }
0x6: {  	s8 =	sshll.u32 s0, $0x3;
	s5 =	sor.u32 s4, s30;
	s10 =	smul.u32 $0x4E20, s4  }
0x7: {  	[smem:$0x7FF] =	sst s3;
	s8 =	sand.u32 $0x70, s8;
	s31 =	smul.u32 $0x280, s5  }
0x8: {  	s4 =	ssub.s32 $0x2, s4;
	s1 =	sand.u32 $0x3, s5;
	s9 =	smul.u32 $0x271, s5  }
0x9: {  	s5 =	smul.u32 $0x4E2, s5;
	s11 =	sshrl.u32 s4, $0x1;
	s20 =	sshrl.u32 s12, $0x3  }
0xa: {  	s7 =	smul.u32 $0x9C400, s1;
	s1 =	rddreg [dreg:$0x2];
	_ =	strace $0x8000004A  }
0xb: {  	s10 =	sadd.s32 s10, s6;
	s11 =	ssub.s32 s4, s11;
	s9 =	sadd.s32 s9, s6  }
0xc: {  	s13 =	sadd.s32 s5, s6;
	s19 =	sadd.s32 $0x7D600, s10;
	s10 =	simm.s32 $0x1400  }
0xd: {  	s7 =	sor.u32 s8, s7;
	s8 =	sadd.s32 s31, s6;
	s5 =	sadd.s32 $0x2A400, s9  }
0xe: {  	s9 =	smax.u32 s11, $0x1;
	s11 =	simm.s32 $0x10;
	s19 =	sadd.s32 s20, s19  }
0xf: {  	s20 =	simm.s32 $0x0;
	s7 =	sshrl.u32 s7, $0x3;
	s4 =	sadd.s32 $0x2F3600, s8  }
0x10: {  	s8 =	sadd.s32 $0x87400, s13;
	s13 =	simm.s32 $0x2788;
	s7 =	sadd.s32 s7, s6  }
0x11: {  	v0 =	vimm.f32 $0.0e+00;
	v1 =	vimm.f32 $1.000000000e+00;
	vm0 =	vcmask $0x3F20;
	s6 =	sadd.s32 $0x2F400, s7;
	s7 =	sadd.s32 s12, s2;
	s12 =	simm.s32 $0x80  }
.LBB2_1:
0x12: {  	[tilespmem:s3], [sflag:$0x1] =	stream.linear.gather [hbm4b:s4+s3], $0x1400, $0x38;
	[tilespmem:$0x1D538] =	vst v63  }
0x13: {  	_ = 	snop  }
0x14: {  	[tilespmem:s10], [sflag:$0x1] =	stream.linear.gather [hbm4b:s5+s3], $0x1388, $0x38;
	[tilespmem:$0x1D538] =	vst v63  }
0x15: {  	s21 =	simm.s32 $0x40;
	s22 =	simm.s32 $0x0  }
0x16: {  	[tilespmem:s13], [sflag:$0x1] =	stream.strided.gather [hbm4b:s6+s11], $0x13880, s12, s11, $0x38;
	[tilespmem:$0x1D538] =	vst v63  }
.LBB2_2:
0x17: {  	p0 =	sne.s32 s21, $0x9C00;
	[tilespmem:s22+$0x18718] =	vst v0;
	s23 =	smov.u32 s21;
	s21 =	sadd.s32 $0x40, s21  }
.Ltmp0:
0x18: {  	[tilespmem:s22+$0x16008] =	vst v0;
	(pc) =	sbr.rel @p0 .LBB2_2-.Ltmp0, $2  }
0x19: {  	_ =	sdelay $0x2  }
0x1a: {  	s22 =	sshra.s32 s23, $0x2  }
0x1b: {  	[tilespmem:s22+$0x18718] =	vst v0  }
0x1c: {  	[tilespmem:s22+$0x16008] =	vst v0  }
0x1d: {  	[spmem:s7] =	stream.linear.scatter [tilespmem:s14], [sflag:$0x2], $0x2710, $0x38;
	[tilespmem:$0x1D538] =	vst v63  }
0x1e: {  	_ =	swait.ge [sflag:s15], $0x2710  }
0x1f: {  	[sflag:s15] =	ssyncset.done $0x0  }
0x20: {  	[sflag:s15] =	ssyncadd.s32 $0xFFFFD8F0  }
0x21: {  	[bflag:$0x0] =	sbarrier.arrive $0xFFFF  }
0x22: {  	_ =	swait.ge [sflag:s16], $0x1400  }
0x23: {  	[sflag:s16] =	ssyncset.done $0x0  }
0x24: {  	[sflag:s16] =	ssyncadd.s32 $0xFFFFEC00  }
0x25: {  	_ =	swait.ge [sflag:s16], $0x1388  }
0x26: {  	[sflag:s16] =	ssyncset.done $0x0  }
0x27: {  	[sflag:s16] =	ssyncadd.s32 $0xFFFFEC78  }
0x28: {  	_ =	swait.ge [sflag:s16], $0x13880  }
0x29: {  	s21 =	simm.s32 $0x2788;
	s22 =	simm.s32 $0x200;
	[sflag:s16] =	ssyncset.done $0x0  }
0x2a: {  	s24 =	simm.s32 $0x0;
	s23 =	simm.s32 $0x2F58;
	[sflag:s16] =	ssyncadd.s32 $0xFFFEC780  }
.LBB2_4:
0x2b: {  	[spmem:s2] =	stream.indirect.scatter.add.f32 [tilespmem:s21], [sflag:$0x1], $0x10, s24, s17, $0xb8;
	[tilespmem:$0x1D538] =	vst v63  }
0x2c: {  	s24 =	smov.u32 s22;
	s21 =	smov.u32 s23;
	p0 =	sne.s32 s22, $0x4E00  }
.Ltmp1:
0x2d: {  	s22 =	sadd.s32 $0x200, s22;
	(pc) =	sbr.rel @p0 .LBB2_4-.Ltmp1, $2  }
0x2e: {  	_ =	sdelay $0x2  }
0x2f: {  	s23 =	sadd.s32 $0x7D0, s23;
	s24 =	sshra.s32 s24, $0x2  }
0x30: {  	[spmem:s2] =	stream.indirect.scatter.add.f32 [tilespmem:s21], [sflag:$0x1], $0x10, s24, s17, $0xb8;
	[tilespmem:$0x1D538] =	vst v63  }
0x31: {  	s22 =	simm.s32 $0x0;
	s21 =	simm.s32 $0x40  }
.LBB2_6:
0x32: {  	p0 =	sne.s32 s21, $0x4DC0;
	v2 =	vld [tilespmem:s22+$0x1400];
	_ =	sdelay $0x3  }
.Ltmp2:
0x33: {  	(pc) =	sbr.rel @p0 .LBB2_6-.Ltmp2, $2  }
0x34: {  	_ =	sdelay $0x2  }
0x35: {  	s22 =	sshra.s32 s21, $0x2;
	s21 =	sadd.s32 $0x40, s21;
	[tilespmem:v2+s18+$0x0] =	vst.idx.add.f32.msk $0xffff, v1  }
0x36: {  	v2 =	vld [tilespmem:s22+$0x1400];
	_ =	sdelay $0x7  }
0x37: {  	[tilespmem:v2+s18+$0x0] =	vst.idx.add.f32.msk $0xffff, v1  }
0x38: {  	v2 =	vld [tilespmem:$0x2778];
	_ =	sdelay $0x7  }
0x39: {  	[tilespmem:v2+s18+$0x0] =	vst.idx.add.f32.msk vm0, v1  }
0x3a: {  	_ =	swait.ge [sflag:s16], $0x7D0  }
0x3b: {  	s21 =	simm.s32 $0x27;
	[sflag:s16] =	ssyncset.done $0x0  }
.LBB2_8:
0x3c: {  	p0 =	sne.s32 s21, $0x1;
	s21 =	sadd.s32 $0xFFFFFFFF, s21;
	[sflag:s16] =	ssyncadd.s32 $0xFFFFF830  }
.Ltmp3:
0x3d: {  	(pc) =	sbr.rel @p0 .LBB2_8-.Ltmp3, $3  }
0x3e: {  	_ =	sdelay $0x1  }
0x3f: {  	_ =	swait.ge [sflag:s16], $0x7D0  }
0x40: {  	[sflag:s16] =	ssyncset.done $0x0  }
0x41: {  	[sflag:s16] =	ssyncadd.s32 $0xFFFFF830;
	s21 =	sshll.u32 s0, $0x6  }
0x42: {  	s22 =	sshrl.u32 s7, $0x3;
	[bflag:$0x0] =	sbarrier.arrive $0xFFFF;
	s21 =	sor.u32 $0x1C02, s21  }
0x43: {  	[hbm:s19], [sflag:s21] =	dma.local [spmem:s22], $0x4E2  }
0x44: {  	s20 =	sadd.s32 $0x1, s20;
	_ =	swait.ge [sflag:s15], $0x4E2  }
0x45: {  	p0 =	sne.s32 s20, s9;
	[sflag:s15] =	ssyncset.done $0x0  }
.Ltmp4:
0x46: {  	[sflag:s15] =	ssyncadd.s32 $0xFFFFFB1E;
	(pc) =	sbr.rel @p0 .LBB2_1-.Ltmp4, $4  }
0x47: {  	[hbm4b:s8+s3] =	stream.linear.scatter [tilespmem:s18], [sflag:$0x2], $0x2710, $0x38;
	[tilespmem:$0x1D538] =	vst v63  }
0x48: {  	_ =	swait.ge [sflag:s15], $0x2710  }
0x49: {  	[sflag:s15] =	ssyncset.done $0x0  }
0x4a: {  	[sflag:s15] =	ssyncadd.s32 $0xFFFFD8F0  }
0x4b: {  	_ =	sfence.sel $0x180000  }
0x4c: {  	[bflag:$0x0] =	sbarrier.arrive $0xFFFF  }
0x4d: {  	p0 =	sne.s32 s0, $0x0;
	_ =	strace $0x9000004A  }
0x4e: {  	s0 =	sadd.s32 @!p0 $0x100000, s1;
	[bflag:$0x2] =	sbarrier.arrive $0xFFFF  }
0x4f: {  	[sflag:s0] =	ssyncadd.tile.s32 @!p0 $0x1;
	_ =	shalt  }
.Lfunc_end2:
_tile_overlayer_lowered:
.L_overlay_start_2:
0x50: {  	(tag) =	ssettag $0x2  }
0x51: {  	s0 =	rddreg [dreg:$0x0];
	s2 =	stileid.u32  }
0x52: {  	s1 =	rddreg [dreg:$0x1];
	p0 =	sne.s32 s2, $0x0  }
0x53: {  	s3 =	rddreg [dreg:$0x2];
	[bflag:$0x3] =	sbarrier.arrive $0xFFFF;
	s2 =	simm.s32 @!p0 $0x1C02  }
0x54: {  	[timem:s3], [sflag:s2] =	dma.local @!p0 [hbm:s0], s1  }
0x55: {  	s0 =	simm.s32 @!p0 $0x2  }
0x56: {  	_ =	swait.ge @!p0 [sflag:s0], s1  }
0x57: {  	s1 =	ssub.s32 @!p0 $0x0, s1;
	[sflag:s0] =	ssyncset.done @!p0 $0x0  }
0x58: {  	[sflag:s0] =	ssyncadd.s32 @!p0 s1  }
0x59: {  	[bflag:$0x3] =	sbarrier.arrive $0xFFFF  }
0x5a: {  	_ =	shalt  }

</sc_bundles>
